<compile_context>
chip_gen: v7x
topology: tpu7x:2x2x1
jax: 0.10.2.dev20260603
libtpu: 0.0.44.dev20260713+nightly
codegen_flags: <defaults>
</compile_context>

<pallas_src>
import functools

import jax
import jax.numpy as jnp
from jax import lax
from jax.experimental import pallas as pl
from jax.experimental.pallas import tpu as pltpu
from jax.experimental.pallas import tpu_sc as plsc

V = 32
D = 8
NC = 2
NS = 16
NW = NC * NS


def _m_table_body(e8_ref, wb_ref, b_ref, m_ref):
    m_ref[...] = (
        jnp.dot(e8_ref[...], wb_ref[...], preferred_element_type=jnp.float32)
        + b_ref[...]
    )


def _compute_m8(embed_weight, head_weight, head_bias):
    e8 = embed_weight.reshape(8, 32)
    wb = jnp.kron(jnp.eye(4, dtype=jnp.float32), head_weight.T)
    b128 = jnp.tile(head_bias, 4).reshape(1, 128)
    return pl.pallas_call(
        _m_table_body,
        out_shape=jax.ShapeDtypeStruct((8, 128), jnp.float32),
    )(e8, wb, b128)


@functools.partial(jax.jit, static_argnames=("sl", "bt"))
def _sc_gather_t(m8, ids_t, sl, bt):
    lanes_per_w = bt // NW
    lch = 8
    n_chunks = sl // lch
    mesh = plsc.VectorSubcoreMesh(core_axis_name="c", subcore_axis_name="s")

    @functools.partial(
        pl.kernel,
        mesh=mesh,
        out_type=jax.ShapeDtypeStruct((sl, V, bt), jnp.float32),
        scratch_types=[
            pltpu.VMEM((8, 128), jnp.float32),
            pltpu.VMEM((lch, 128), jnp.int32),
            pltpu.VMEM((lch, V, 128), jnp.float32),
        ],
        compiler_params=pltpu.CompilerParams(
            use_tc_tiling_on_sc=True, needs_layout_passes=False
        ),
    )
    def gather_kernel(m_hbm, ids_hbm, out_hbm, m_v, ids_v, slab):
        wid = lax.axis_index("s") * NC + lax.axis_index("c")
        b0 = wid * lanes_per_w
        pltpu.sync_copy(m_hbm, m_v)

        def chunk_body(c, carry):
            pltpu.sync_copy(
                ids_hbm.at[pl.ds(c * lch, lch), pl.ds(b0, lanes_per_w)], ids_v
            )

            @plsc.parallel_loop(0, lch * 8, 1, unroll=2)
            def group(it):
                li = it // 8
                g = it % 8
                ids16 = ids_v[li, pl.ds(g * 16, 16)]
                row16 = lax.shift_right_logical(ids16, 2)
                col16 = lax.shift_left(lax.bitwise_and(ids16, 3), 5)
                for v in range(V):
                    val = plsc.load_gather(m_v, [row16, col16 + v])
                    slab[li, v, pl.ds(g * 16, 16)] = val
            pltpu.sync_copy(
                slab,
                out_hbm.at[pl.ds(c * lch, lch), :, pl.ds(b0, lanes_per_w)],
            )
            return carry

        lax.fori_loop(0, n_chunks, chunk_body, 0)

    return gather_kernel(m8, ids_t)


def kernel(input_ids, embed_weight, head_weight, head_bias):
    bt, sl = input_ids.shape
    m8 = _compute_m8(embed_weight, head_weight, head_bias)
    ids_t = input_ids.T.astype(jnp.int32)
    p = _sc_gather_t(m8, ids_t, sl, bt)
    return p.transpose(2, 0, 1)

# --- scband reference (transcript-rebuilt; emitter-appended) ---
"""Pipeline reference for scband-stub-model-82935818486218 (READ-ONLY COPY).

The authoritative reference and input builder live on the scoring server;
editing this copy changes nothing except your own understanding.
"""

import jax, jax.numpy as jnp
import numpy as np

V = 32
D = 8

def setup_inputs(seed: int = 0) -> dict:
    key = jax.random.key(seed)
    k_ids, k_emb, k_head = jax.random.split(key, 3)
    input_ids = jax.random.randint(k_ids, (4096, 200), 0, V, dtype=jnp.int64 if jax.config.jax_enable_x64 else jnp.int32)
    embed_weight = jax.random.normal(k_emb, (V, D), dtype=jnp.float32)
    head_weight = jax.random.normal(k_head, (V, D), dtype=jnp.float32) * 0.1
    head_bias = jnp.zeros((V,), dtype=jnp.float32)
    return {"input_ids": input_ids, "embed_weight": embed_weight, "head_weight": head_weight, "head_bias": head_bias}

def reference(input_ids, embed_weight, head_weight, head_bias):
    # embedding lookup (gather)
    h = jnp.take(embed_weight, input_ids, axis=0)  # [B, L, D]
    # linear head: h @ W^T + b
    logits = jnp.einsum('bld,vd->blv', h, head_weight) + head_bias  # [B, L, V]
    return logits

if __name__ == "__main__":
    import jax
    _d = setup_inputs()
    print(jax.jit(kernel)(*tuple(_d.values())))

</pallas_src>

<mosaic_0001>
#map = affine_map<(d0, d1) -> (0, 0)>
#map1 = affine_map<(d0, d1) -> (0, 0, 0)>
module attributes {stable_mosaic.version = 14 : i64} {
  func.func @gather_kernel(%arg0: i32, %arg1: i32, %arg2: memref<8x128xf32, #tpu.memory_space<hbm>>, %arg3: memref<200x4096xi32, #tpu.memory_space<hbm>>, %arg4: memref<200x32x4096xf32, #tpu.memory_space<hbm>>, %arg5: memref<8x128xf32, #tpu.memory_space<vmem>>, %arg6: memref<8x128xi32, #tpu.memory_space<vmem>>, %arg7: memref<8x32x128xf32, #tpu.memory_space<vmem>>) attributes {dimension_semantics = [#tpu.dimension_semantics<core_parallel>, #tpu.dimension_semantics<subcore_parallel>], iteration_bounds = array<i64: 2, 16>, scalar_prefetch = 0 : i64, scratch_operands = 3 : i64, tpu.core_type = #tpu.core_type<sc_vector_subcore>, window_params = [{transform_indices = #map}, {transform_indices = #map}, {transform_indices = #map1}]} {
    %mul3A = arith.constant 2 : i32
    %mul3A_0 = arith.muli %arg1, %mul3A : i32
    %add3A = arith.addi %mul3A_0, %arg0 : i32
    %mul3A_1 = arith.constant 128 : i32
    %mul3A_2 = arith.muli %add3A, %mul3A_1 : i32
    "tpu.region"() ({
      %run_scoped3A = tpu.sem_alloc : memref<!tpu.dma_semaphore, #tpu.memory_space<semaphore_mem>>
      tpu.enqueue_dma source(%arg2 : memref<8x128xf32, #tpu.memory_space<hbm>>) target(%arg5 : memref<8x128xf32, #tpu.memory_space<vmem>>) target_semaphore(%run_scoped3A : memref<!tpu.dma_semaphore, #tpu.memory_space<semaphore_mem>>)
      tpu.wait_dma2 semaphore(%run_scoped3A : memref<!tpu.dma_semaphore, #tpu.memory_space<semaphore_mem>>) src(%arg2 : memref<8x128xf32, #tpu.memory_space<hbm>>) dst(%arg5 : memref<8x128xf32, #tpu.memory_space<vmem>>)
      tpu.yield
    }) : () -> ()
    %scan3A = arith.constant 0 : i32
    %scan3A_3 = arith.constant 0 : i32
    %scan3A_4 = arith.constant 25 : i32
    %scan3A_5 = arith.addi %scan3A_3, %scan3A_4 : i32
    %scan3A_6 = arith.constant 1 : i32
    scf.for %scan3A_8 = %scan3A_3 to %scan3A_5 step %scan3A_6  : i32 {
      %mul3A_9 = arith.constant 8 : i32
      %mul3A_10 = arith.muli %scan3A_8, %mul3A_9 : i32
      "tpu.region"() ({
        %run_scoped3A = tpu.sem_alloc : memref<!tpu.dma_semaphore, #tpu.memory_space<semaphore_mem>>
        %dma_start3A = tpu.memref_slice %arg3[%mul3A_10, %mul3A_2] : memref<200x4096xi32, #tpu.memory_space<hbm>> -> memref<8x128xi32, #tpu.memory_space<hbm>>
        %dma_start3A_15 = tpu.memref_slice %arg3[%mul3A_10, %mul3A_2] : memref<200x4096xi32, #tpu.memory_space<hbm>> -> memref<8x128xi32, #tpu.memory_space<hbm>>
        tpu.enqueue_dma source(%dma_start3A_15 : memref<8x128xi32, #tpu.memory_space<hbm>>) target(%arg6 : memref<8x128xi32, #tpu.memory_space<vmem>>) target_semaphore(%run_scoped3A : memref<!tpu.dma_semaphore, #tpu.memory_space<semaphore_mem>>)
        %dma_wait3A = tpu.memref_slice %arg3[%mul3A_10, %mul3A_2] : memref<200x4096xi32, #tpu.memory_space<hbm>> -> memref<8x128xi32, #tpu.memory_space<hbm>>
        %dma_wait3A_16 = tpu.memref_slice %arg3[%mul3A_10, %mul3A_2] : memref<200x4096xi32, #tpu.memory_space<hbm>> -> memref<8x128xi32, #tpu.memory_space<hbm>>
        tpu.wait_dma2 semaphore(%run_scoped3A : memref<!tpu.dma_semaphore, #tpu.memory_space<semaphore_mem>>) src(%dma_wait3A_16 : memref<8x128xi32, #tpu.memory_space<hbm>>) dst(%arg6 : memref<8x128xi32, #tpu.memory_space<vmem>>)
        tpu.yield
      }) : () -> ()
      %parallel_loop3A = arith.constant 0 : i32
      %parallel_loop3A_11 = arith.constant 64 : i32
      %parallel_loop3A_12 = arith.constant 1 : i32
      scf.for %parallel_loop3A_15 = %parallel_loop3A to %parallel_loop3A_11 step %parallel_loop3A_12  : i32 {
        %parallel_loop3A_16 = arith.constant 8 : i32
        %parallel_loop3A_17 = arith.divsi %parallel_loop3A_15, %parallel_loop3A_16 : i32
        %parallel_loop3A_18 = arith.constant 0 : i32
        %parallel_loop3A_19 = arith.cmpi sgt, %parallel_loop3A_15, %parallel_loop3A_18 : i32
        %parallel_loop3A_20 = arith.extui %parallel_loop3A_19 : i1 to i32
        %parallel_loop3A_21 = arith.constant 0 : i32
        %parallel_loop3A_22 = arith.cmpi slt, %parallel_loop3A_15, %parallel_loop3A_21 : i32
        %parallel_loop3A_23 = arith.extui %parallel_loop3A_22 : i1 to i32
        %parallel_loop3A_24 = arith.subi %parallel_loop3A_20, %parallel_loop3A_23 : i32
        %parallel_loop3A_25 = arith.constant 0 : i32
        %parallel_loop3A_26 = arith.cmpi sgt, %parallel_loop3A_16, %parallel_loop3A_25 : i32
        %parallel_loop3A_27 = arith.extui %parallel_loop3A_26 : i1 to i32
        %parallel_loop3A_28 = arith.constant 0 : i32
        %parallel_loop3A_29 = arith.cmpi slt, %parallel_loop3A_16, %parallel_loop3A_28 : i32
        %parallel_loop3A_30 = arith.extui %parallel_loop3A_29 : i1 to i32
        %parallel_loop3A_31 = arith.subi %parallel_loop3A_27, %parallel_loop3A_30 : i32
        %parallel_loop3A_32 = arith.cmpi ne, %parallel_loop3A_24, %parallel_loop3A_31 : i32
        %parallel_loop3A_33 = arith.remsi %parallel_loop3A_15, %parallel_loop3A_16 : i32
        %parallel_loop3A_34 = arith.constant 0 : i32
        %parallel_loop3A_35 = arith.cmpi ne, %parallel_loop3A_33, %parallel_loop3A_34 : i32
        %parallel_loop3A_36 = arith.andi %parallel_loop3A_32, %parallel_loop3A_35 : i1
        %parallel_loop3A_37 = arith.constant 1 : i32
        %parallel_loop3A_38 = arith.subi %parallel_loop3A_17, %parallel_loop3A_37 : i32
        %parallel_loop3A_39 = arith.select %parallel_loop3A_36, %parallel_loop3A_38, %parallel_loop3A_17 : i32
        %parallel_loop3A_40 = arith.constant 8 : i32
        %parallel_loop3A_41 = arith.constant 0 : i32
        %parallel_loop3A_42 = arith.cmpi eq, %parallel_loop3A_40, %parallel_loop3A_41 : i32
        %parallel_loop3A_43 = arith.constant 1 : i32
        %parallel_loop3A_44 = arith.select %parallel_loop3A_42, %parallel_loop3A_43, %parallel_loop3A_40 : i32
        %parallel_loop3A_45 = arith.remsi %parallel_loop3A_15, %parallel_loop3A_44 : i32
        %parallel_loop3A_46 = arith.constant 0 : i32
        %parallel_loop3A_47 = arith.cmpi ne, %parallel_loop3A_45, %parallel_loop3A_46 : i32
        %parallel_loop3A_48 = arith.constant 0 : i32
        %parallel_loop3A_49 = arith.cmpi slt, %parallel_loop3A_45, %parallel_loop3A_48 : i32
        %parallel_loop3A_50 = arith.constant 0 : i32
        %parallel_loop3A_51 = arith.cmpi slt, %parallel_loop3A_44, %parallel_loop3A_50 : i32
        %parallel_loop3A_52 = arith.xori %parallel_loop3A_49, %parallel_loop3A_51 : i1
        %parallel_loop3A_53 = arith.andi %parallel_loop3A_52, %parallel_loop3A_47 : i1
        %parallel_loop3A_54 = arith.addi %parallel_loop3A_45, %parallel_loop3A_44 : i32
        %parallel_loop3A_55 = arith.select %parallel_loop3A_53, %parallel_loop3A_54, %parallel_loop3A_45 : i32
        %parallel_loop3A_56 = arith.constant 16 : i32
        %parallel_loop3A_57 = arith.muli %parallel_loop3A_55, %parallel_loop3A_56 : i32
        %parallel_loop3A_58 = arith.index_cast %parallel_loop3A_39 : i32 to index
        %parallel_loop3A_59 = arith.index_cast %parallel_loop3A_57 : i32 to index
        %parallel_loop3A_60 = tpu.vector_load %arg6[%parallel_loop3A_58, %parallel_loop3A_59] {strides = array<i32>} : memref<8x128xi32, #tpu.memory_space<vmem>>, vector<16xi32>,
        %parallel_loop3A_61 = arith.constant 2 : i32
        %parallel_loop3A_62 = vector.broadcast %parallel_loop3A_61 : i32 to vector<16xi32>
        %parallel_loop3A_63 = arith.shrui %parallel_loop3A_60, %parallel_loop3A_62 : vector<16xi32>
        %parallel_loop3A_64 = arith.constant 3 : i32
        %parallel_loop3A_65 = vector.broadcast %parallel_loop3A_64 : i32 to vector<16xi32>
        %parallel_loop3A_66 = arith.andi %parallel_loop3A_60, %parallel_loop3A_65 : vector<16xi32>
        %parallel_loop3A_67 = arith.constant 5 : i32
        %parallel_loop3A_68 = vector.broadcast %parallel_loop3A_67 : i32 to vector<16xi32>
        %parallel_loop3A_69 = arith.shli %parallel_loop3A_66, %parallel_loop3A_68 : vector<16xi32>
        %parallel_loop3A_70 = arith.constant 0 : i32
        %parallel_loop3A_71 = vector.broadcast %parallel_loop3A_70 : i32 to vector<16xi32>
        %parallel_loop3A_72 = arith.addi %parallel_loop3A_69, %parallel_loop3A_71 : vector<16xi32>
        %parallel_loop3A_73 = tpu.vector_load_idx %arg5[%parallel_loop3A_63, %parallel_loop3A_72] : memref<8x128xf32, #tpu.memory_space<vmem>>[vector<16xi32>, vector<16xi32>], vector<16xf32>,
        %parallel_loop3A_74 = arith.constant 16 : i32
        %parallel_loop3A_75 = arith.muli %parallel_loop3A_55, %parallel_loop3A_74 : i32
        %parallel_loop3A_76 = arith.constant 0 : i32
        %parallel_loop3A_77 = arith.index_cast %parallel_loop3A_39 : i32 to index
        %parallel_loop3A_78 = arith.index_cast %parallel_loop3A_76 : i32 to index
        %parallel_loop3A_79 = arith.index_cast %parallel_loop3A_75 : i32 to index
        %parallel_loop3A_80 = tpu.vector_load %arg7[%parallel_loop3A_77, %parallel_loop3A_78, %parallel_loop3A_79] {strides = array<i32>} : memref<8x32x128xf32, #tpu.memory_space<vmem>>, vector<16xf32>,
        tpu.vector_store %arg7[%parallel_loop3A_77, %parallel_loop3A_78, %parallel_loop3A_79], %parallel_loop3A_73 {strides = array<i32>} : memref<8x32x128xf32, #tpu.memory_space<vmem>>, vector<16xf32>,
        %parallel_loop3A_81 = arith.constant 1 : i32
        %parallel_loop3A_82 = vector.broadcast %parallel_loop3A_81 : i32 to vector<16xi32>
        %parallel_loop3A_83 = arith.addi %parallel_loop3A_69, %parallel_loop3A_82 : vector<16xi32>
        %parallel_loop3A_84 = tpu.vector_load_idx %arg5[%parallel_loop3A_63, %parallel_loop3A_83] : memref<8x128xf32, #tpu.memory_space<vmem>>[vector<16xi32>, vector<16xi32>], vector<16xf32>,
        %parallel_loop3A_85 = arith.constant 16 : i32
        %parallel_loop3A_86 = arith.muli %parallel_loop3A_55, %parallel_loop3A_85 : i32
        %parallel_loop3A_87 = arith.constant 1 : i32
        %parallel_loop3A_88 = arith.index_cast %parallel_loop3A_39 : i32 to index
        %parallel_loop3A_89 = arith.index_cast %parallel_loop3A_87 : i32 to index
        %parallel_loop3A_90 = arith.index_cast %parallel_loop3A_86 : i32 to index
        %parallel_loop3A_91 = tpu.vector_load %arg7[%parallel_loop3A_88, %parallel_loop3A_89, %parallel_loop3A_90] {strides = array<i32>} : memref<8x32x128xf32, #tpu.memory_space<vmem>>, vector<16xf32>,
        tpu.vector_store %arg7[%parallel_loop3A_88, %parallel_loop3A_89, %parallel_loop3A_90], %parallel_loop3A_84 {strides = array<i32>} : memref<8x32x128xf32, #tpu.memory_space<vmem>>, vector<16xf32>,
        %parallel_loop3A_92 = arith.constant 2 : i32
        %parallel_loop3A_93 = vector.broadcast %parallel_loop3A_92 : i32 to vector<16xi32>
        %parallel_loop3A_94 = arith.addi %parallel_loop3A_69, %parallel_loop3A_93 : vector<16xi32>
        %parallel_loop3A_95 = tpu.vector_load_idx %arg5[%parallel_loop3A_63, %parallel_loop3A_94] : memref<8x128xf32, #tpu.memory_space<vmem>>[vector<16xi32>, vector<16xi32>], vector<16xf32>,
        %parallel_loop3A_96 = arith.constant 16 : i32
        %parallel_loop3A_97 = arith.muli %parallel_loop3A_55, %parallel_loop3A_96 : i32
        %parallel_loop3A_98 = arith.constant 2 : i32
        %parallel_loop3A_99 = arith.index_cast %parallel_loop3A_39 : i32 to index
        %parallel_loop3A_100 = arith.index_cast %parallel_loop3A_98 : i32 to index
        %parallel_loop3A_101 = arith.index_cast %parallel_loop3A_97 : i32 to index
        %parallel_loop3A_102 = tpu.vector_load %arg7[%parallel_loop3A_99, %parallel_loop3A_100, %parallel_loop3A_101] {strides = array<i32>} : memref<8x32x128xf32, #tpu.memory_space<vmem>>, vector<16xf32>,
        tpu.vector_store %arg7[%parallel_loop3A_99, %parallel_loop3A_100, %parallel_loop3A_101], %parallel_loop3A_95 {strides = array<i32>} : memref<8x32x128xf32, #tpu.memory_space<vmem>>, vector<16xf32>,
        %parallel_loop3A_103 = arith.constant 3 : i32
        %parallel_loop3A_104 = vector.broadcast %parallel_loop3A_103 : i32 to vector<16xi32>
        %parallel_loop3A_105 = arith.addi %parallel_loop3A_69, %parallel_loop3A_104 : vector<16xi32>
        %parallel_loop3A_106 = tpu.vector_load_idx %arg5[%parallel_loop3A_63, %parallel_loop3A_105] : memref<8x128xf32, #tpu.memory_space<vmem>>[vector<16xi32>, vector<16xi32>], vector<16xf32>,
        %parallel_loop3A_107 = arith.constant 16 : i32
        %parallel_loop3A_108 = arith.muli %parallel_loop3A_55, %parallel_loop3A_107 : i32
        %parallel_loop3A_109 = arith.constant 3 : i32
        %parallel_loop3A_110 = arith.index_cast %parallel_loop3A_39 : i32 to index
        %parallel_loop3A_111 = arith.index_cast %parallel_loop3A_109 : i32 to index
        %parallel_loop3A_112 = arith.index_cast %parallel_loop3A_108 : i32 to index
        %parallel_loop3A_113 = tpu.vector_load %arg7[%parallel_loop3A_110, %parallel_loop3A_111, %parallel_loop3A_112] {strides = array<i32>} : memref<8x32x128xf32, #tpu.memory_space<vmem>>, vector<16xf32>,
        tpu.vector_store %arg7[%parallel_loop3A_110, %parallel_loop3A_111, %parallel_loop3A_112], %parallel_loop3A_106 {strides = array<i32>} : memref<8x32x128xf32, #tpu.memory_space<vmem>>, vector<16xf32>,
        %parallel_loop3A_114 = arith.constant 4 : i32
        %parallel_loop3A_115 = vector.broadcast %parallel_loop3A_114 : i32 to vector<16xi32>
        %parallel_loop3A_116 = arith.addi %parallel_loop3A_69, %parallel_loop3A_115 : vector<16xi32>
        %parallel_loop3A_117 = tpu.vector_load_idx %arg5[%parallel_loop3A_63, %parallel_loop3A_116] : memref<8x128xf32, #tpu.memory_space<vmem>>[vector<16xi32>, vector<16xi32>], vector<16xf32>,
        %parallel_loop3A_118 = arith.constant 16 : i32
        %parallel_loop3A_119 = arith.muli %parallel_loop3A_55, %parallel_loop3A_118 : i32
        %parallel_loop3A_120 = arith.constant 4 : i32
        %parallel_loop3A_121 = arith.index_cast %parallel_loop3A_39 : i32 to index
        %parallel_loop3A_122 = arith.index_cast %parallel_loop3A_120 : i32 to index
        %parallel_loop3A_123 = arith.index_cast %parallel_loop3A_119 : i32 to index
        %parallel_loop3A_124 = tpu.vector_load %arg7[%parallel_loop3A_121, %parallel_loop3A_122, %parallel_loop3A_123] {strides = array<i32>} : memref<8x32x128xf32, #tpu.memory_space<vmem>>, vector<16xf32>,
        tpu.vector_store %arg7[%parallel_loop3A_121, %parallel_loop3A_122, %parallel_loop3A_123], %parallel_loop3A_117 {strides = array<i32>} : memref<8x32x128xf32, #tpu.memory_space<vmem>>, vector<16xf32>,
        %parallel_loop3A_125 = arith.constant 5 : i32
        %parallel_loop3A_126 = vector.broadcast %parallel_loop3A_125 : i32 to vector<16xi32>
        %parallel_loop3A_127 = arith.addi %parallel_loop3A_69, %parallel_loop3A_126 : vector<16xi32>
        %parallel_loop3A_128 = tpu.vector_load_idx %arg5[%parallel_loop3A_63, %parallel_loop3A_127] : memref<8x128xf32, #tpu.memory_space<vmem>>[vector<16xi32>, vector<16xi32>], vector<16xf32>,
        %parallel_loop3A_129 = arith.constant 16 : i32
        %parallel_loop3A_130 = arith.muli %parallel_loop3A_55, %parallel_loop3A_129 : i32
        %parallel_loop3A_131 = arith.constant 5 : i32
        %parallel_loop3A_132 = arith.index_cast %parallel_loop3A_39 : i32 to index
        %parallel_loop3A_133 = arith.index_cast %parallel_loop3A_131 : i32 to index
        %parallel_loop3A_134 = arith.index_cast %parallel_loop3A_130 : i32 to index
        %parallel_loop3A_135 = tpu.vector_load %arg7[%parallel_loop3A_132, %parallel_loop3A_133, %parallel_loop3A_134] {strides = array<i32>} : memref<8x32x128xf32, #tpu.memory_space<vmem>>, vector<16xf32>,
        tpu.vector_store %arg7[%parallel_loop3A_132, %parallel_loop3A_133, %parallel_loop3A_134], %parallel_loop3A_128 {strides = array<i32>} : memref<8x32x128xf32, #tpu.memory_space<vmem>>, vector<16xf32>,
        %parallel_loop3A_136 = arith.constant 6 : i32
        %parallel_loop3A_137 = vector.broadcast %parallel_loop3A_136 : i32 to vector<16xi32>
        %parallel_loop3A_138 = arith.addi %parallel_loop3A_69, %parallel_loop3A_137 : vector<16xi32>
        %parallel_loop3A_139 = tpu.vector_load_idx %arg5[%parallel_loop3A_63, %parallel_loop3A_138] : memref<8x128xf32, #tpu.memory_space<vmem>>[vector<16xi32>, vector<16xi32>], vector<16xf32>,
        %parallel_loop3A_140 = arith.constant 16 : i32
        %parallel_loop3A_141 = arith.muli %parallel_loop3A_55, %parallel_loop3A_140 : i32
        %parallel_loop3A_142 = arith.constant 6 : i32
        %parallel_loop3A_143 = arith.index_cast %parallel_loop3A_39 : i32 to index
        %parallel_loop3A_144 = arith.index_cast %parallel_loop3A_142 : i32 to index
        %parallel_loop3A_145 = arith.index_cast %parallel_loop3A_141 : i32 to index
        %parallel_loop3A_146 = tpu.vector_load %arg7[%parallel_loop3A_143, %parallel_loop3A_144, %parallel_loop3A_145] {strides = array<i32>} : memref<8x32x128xf32, #tpu.memory_space<vmem>>, vector<16xf32>,
        tpu.vector_store %arg7[%parallel_loop3A_143, %parallel_loop3A_144, %parallel_loop3A_145], %parallel_loop3A_139 {strides = array<i32>} : memref<8x32x128xf32, #tpu.memory_space<vmem>>, vector<16xf32>,
        %parallel_loop3A_147 = arith.constant 7 : i32
        %parallel_loop3A_148 = vector.broadcast %parallel_loop3A_147 : i32 to vector<16xi32>
        %parallel_loop3A_149 = arith.addi %parallel_loop3A_69, %parallel_loop3A_148 : vector<16xi32>
        %parallel_loop3A_150 = tpu.vector_load_idx %arg5[%parallel_loop3A_63, %parallel_loop3A_149] : memref<8x128xf32, #tpu.memory_space<vmem>>[vector<16xi32>, vector<16xi32>], vector<16xf32>,
        %parallel_loop3A_151 = arith.constant 16 : i32
        %parallel_loop3A_152 = arith.muli %parallel_loop3A_55, %parallel_loop3A_151 : i32
        %parallel_loop3A_153 = arith.constant 7 : i32
        %parallel_loop3A_154 = arith.index_cast %parallel_loop3A_39 : i32 to index
        %parallel_loop3A_155 = arith.index_cast %parallel_loop3A_153 : i32 to index
        %parallel_loop3A_156 = arith.index_cast %parallel_loop3A_152 : i32 to index
        %parallel_loop3A_157 = tpu.vector_load %arg7[%parallel_loop3A_154, %parallel_loop3A_155, %parallel_loop3A_156] {strides = array<i32>} : memref<8x32x128xf32, #tpu.memory_space<vmem>>, vector<16xf32>,
        tpu.vector_store %arg7[%parallel_loop3A_154, %parallel_loop3A_155, %parallel_loop3A_156], %parallel_loop3A_150 {strides = array<i32>} : memref<8x32x128xf32, #tpu.memory_space<vmem>>, vector<16xf32>,
        %parallel_loop3A_158 = arith.constant 8 : i32
        %parallel_loop3A_159 = vector.broadcast %parallel_loop3A_158 : i32 to vector<16xi32>
        %parallel_loop3A_160 = arith.addi %parallel_loop3A_69, %parallel_loop3A_159 : vector<16xi32>
        %parallel_loop3A_161 = tpu.vector_load_idx %arg5[%parallel_loop3A_63, %parallel_loop3A_160] : memref<8x128xf32, #tpu.memory_space<vmem>>[vector<16xi32>, vector<16xi32>], vector<16xf32>,
        %parallel_loop3A_162 = arith.constant 16 : i32
        %parallel_loop3A_163 = arith.muli %parallel_loop3A_55, %parallel_loop3A_162 : i32
        %parallel_loop3A_164 = arith.constant 8 : i32
        %parallel_loop3A_165 = arith.index_cast %parallel_loop3A_39 : i32 to index
        %parallel_loop3A_166 = arith.index_cast %parallel_loop3A_164 : i32 to index
        %parallel_loop3A_167 = arith.index_cast %parallel_loop3A_163 : i32 to index
        %parallel_loop3A_168 = tpu.vector_load %arg7[%parallel_loop3A_165, %parallel_loop3A_166, %parallel_loop3A_167] {strides = array<i32>} : memref<8x32x128xf32, #tpu.memory_space<vmem>>, vector<16xf32>,
        tpu.vector_store %arg7[%parallel_loop3A_165, %parallel_loop3A_166, %parallel_loop3A_167], %parallel_loop3A_161 {strides = array<i32>} : memref<8x32x128xf32, #tpu.memory_space<vmem>>, vector<16xf32>,
        %parallel_loop3A_169 = arith.constant 9 : i32
        %parallel_loop3A_170 = vector.broadcast %parallel_loop3A_169 : i32 to vector<16xi32>
        %parallel_loop3A_171 = arith.addi %parallel_loop3A_69, %parallel_loop3A_170 : vector<16xi32>
        %parallel_loop3A_172 = tpu.vector_load_idx %arg5[%parallel_loop3A_63, %parallel_loop3A_171] : memref<8x128xf32, #tpu.memory_space<vmem>>[vector<16xi32>, vector<16xi32>], vector<16xf32>,
        %parallel_loop3A_173 = arith.constant 16 : i32
        %parallel_loop3A_174 = arith.muli %parallel_loop3A_55, %parallel_loop3A_173 : i32
        %parallel_loop3A_175 = arith.constant 9 : i32
        %parallel_loop3A_176 = arith.index_cast %parallel_loop3A_39 : i32 to index
        %parallel_loop3A_177 = arith.index_cast %parallel_loop3A_175 : i32 to index
        %parallel_loop3A_178 = arith.index_cast %parallel_loop3A_174 : i32 to index
        %parallel_loop3A_179 = tpu.vector_load %arg7[%parallel_loop3A_176, %parallel_loop3A_177, %parallel_loop3A_178] {strides = array<i32>} : memref<8x32x128xf32, #tpu.memory_space<vmem>>, vector<16xf32>,
        tpu.vector_store %arg7[%parallel_loop3A_176, %parallel_loop3A_177, %parallel_loop3A_178], %parallel_loop3A_172 {strides = array<i32>} : memref<8x32x128xf32, #tpu.memory_space<vmem>>, vector<16xf32>,
        %parallel_loop3A_180 = arith.constant 10 : i32
        %parallel_loop3A_181 = vector.broadcast %parallel_loop3A_180 : i32 to vector<16xi32>
        %parallel_loop3A_182 = arith.addi %parallel_loop3A_69, %parallel_loop3A_181 : vector<16xi32>
        %parallel_loop3A_183 = tpu.vector_load_idx %arg5[%parallel_loop3A_63, %parallel_loop3A_182] : memref<8x128xf32, #tpu.memory_space<vmem>>[vector<16xi32>, vector<16xi32>], vector<16xf32>,
        %parallel_loop3A_184 = arith.constant 16 : i32
        %parallel_loop3A_185 = arith.muli %parallel_loop3A_55, %parallel_loop3A_184 : i32
        %parallel_loop3A_186 = arith.constant 10 : i32
        %parallel_loop3A_187 = arith.index_cast %parallel_loop3A_39 : i32 to index
        %parallel_loop3A_188 = arith.index_cast %parallel_loop3A_186 : i32 to index
        %parallel_loop3A_189 = arith.index_cast %parallel_loop3A_185 : i32 to index
        %parallel_loop3A_190 = tpu.vector_load %arg7[%parallel_loop3A_187, %parallel_loop3A_188, %parallel_loop3A_189] {strides = array<i32>} : memref<8x32x128xf32, #tpu.memory_space<vmem>>, vector<16xf32>,
        tpu.vector_store %arg7[%parallel_loop3A_187, %parallel_loop3A_188, %parallel_loop3A_189], %parallel_loop3A_183 {strides = array<i32>} : memref<8x32x128xf32, #tpu.memory_space<vmem>>, vector<16xf32>,
        %parallel_loop3A_191 = arith.constant 11 : i32
        %parallel_loop3A_192 = vector.broadcast %parallel_loop3A_191 : i32 to vector<16xi32>
        %parallel_loop3A_193 = arith.addi %parallel_loop3A_69, %parallel_loop3A_192 : vector<16xi32>
        %parallel_loop3A_194 = tpu.vector_load_idx %arg5[%parallel_loop3A_63, %parallel_loop3A_193] : memref<8x128xf32, #tpu.memory_space<vmem>>[vector<16xi32>, vector<16xi32>], vector<16xf32>,
        %parallel_loop3A_195 = arith.constant 16 : i32
        %parallel_loop3A_196 = arith.muli %parallel_loop3A_55, %parallel_loop3A_195 : i32
        %parallel_loop3A_197 = arith.constant 11 : i32
        %parallel_loop3A_198 = arith.index_cast %parallel_loop3A_39 : i32 to index
        %parallel_loop3A_199 = arith.index_cast %parallel_loop3A_197 : i32 to index
        %parallel_loop3A_200 = arith.index_cast %parallel_loop3A_196 : i32 to index
        %parallel_loop3A_201 = tpu.vector_load %arg7[%parallel_loop3A_198, %parallel_loop3A_199, %parallel_loop3A_200] {strides = array<i32>} : memref<8x32x128xf32, #tpu.memory_space<vmem>>, vector<16xf32>,
        tpu.vector_store %arg7[%parallel_loop3A_198, %parallel_loop3A_199, %parallel_loop3A_200], %parallel_loop3A_194 {strides = array<i32>} : memref<8x32x128xf32, #tpu.memory_space<vmem>>, vector<16xf32>,
        %parallel_loop3A_202 = arith.constant 12 : i32
        %parallel_loop3A_203 = vector.broadcast %parallel_loop3A_202 : i32 to vector<16xi32>
        %parallel_loop3A_204 = arith.addi %parallel_loop3A_69, %parallel_loop3A_203 : vector<16xi32>
        %parallel_loop3A_205 = tpu.vector_load_idx %arg5[%parallel_loop3A_63, %parallel_loop3A_204] : memref<8x128xf32, #tpu.memory_space<vmem>>[vector<16xi32>, vector<16xi32>], vector<16xf32>,
        %parallel_loop3A_206 = arith.constant 16 : i32
        %parallel_loop3A_207 = arith.muli %parallel_loop3A_55, %parallel_loop3A_206 : i32
        %parallel_loop3A_208 = arith.constant 12 : i32
        %parallel_loop3A_209 = arith.index_cast %parallel_loop3A_39 : i32 to index
        %parallel_loop3A_210 = arith.index_cast %parallel_loop3A_208 : i32 to index
        %parallel_loop3A_211 = arith.index_cast %parallel_loop3A_207 : i32 to index
        %parallel_loop3A_212 = tpu.vector_load %arg7[%parallel_loop3A_209, %parallel_loop3A_210, %parallel_loop3A_211] {strides = array<i32>} : memref<8x32x128xf32, #tpu.memory_space<vmem>>, vector<16xf32>,
        tpu.vector_store %arg7[%parallel_loop3A_209, %parallel_loop3A_210, %parallel_loop3A_211], %parallel_loop3A_205 {strides = array<i32>} : memref<8x32x128xf32, #tpu.memory_space<vmem>>, vector<16xf32>,
        %parallel_loop3A_213 = arith.constant 13 : i32
        %parallel_loop3A_214 = vector.broadcast %parallel_loop3A_213 : i32 to vector<16xi32>
        %parallel_loop3A_215 = arith.addi %parallel_loop3A_69, %parallel_loop3A_214 : vector<16xi32>
        %parallel_loop3A_216 = tpu.vector_load_idx %arg5[%parallel_loop3A_63, %parallel_loop3A_215] : memref<8x128xf32, #tpu.memory_space<vmem>>[vector<16xi32>, vector<16xi32>], vector<16xf32>,
        %parallel_loop3A_217 = arith.constant 16 : i32
        %parallel_loop3A_218 = arith.muli %parallel_loop3A_55, %parallel_loop3A_217 : i32
        %parallel_loop3A_219 = arith.constant 13 : i32
        %parallel_loop3A_220 = arith.index_cast %parallel_loop3A_39 : i32 to index
        %parallel_loop3A_221 = arith.index_cast %parallel_loop3A_219 : i32 to index
        %parallel_loop3A_222 = arith.index_cast %parallel_loop3A_218 : i32 to index
        %parallel_loop3A_223 = tpu.vector_load %arg7[%parallel_loop3A_220, %parallel_loop3A_221, %parallel_loop3A_222] {strides = array<i32>} : memref<8x32x128xf32, #tpu.memory_space<vmem>>, vector<16xf32>,
        tpu.vector_store %arg7[%parallel_loop3A_220, %parallel_loop3A_221, %parallel_loop3A_222], %parallel_loop3A_216 {strides = array<i32>} : memref<8x32x128xf32, #tpu.memory_space<vmem>>, vector<16xf32>,
        %parallel_loop3A_224 = arith.constant 14 : i32
        %parallel_loop3A_225 = vector.broadcast %parallel_loop3A_224 : i32 to vector<16xi32>
        %parallel_loop3A_226 = arith.addi %parallel_loop3A_69, %parallel_loop3A_225 : vector<16xi32>
        %parallel_loop3A_227 = tpu.vector_load_idx %arg5[%parallel_loop3A_63, %parallel_loop3A_226] : memref<8x128xf32, #tpu.memory_space<vmem>>[vector<16xi32>, vector<16xi32>], vector<16xf32>,
        %parallel_loop3A_228 = arith.constant 16 : i32
        %parallel_loop3A_229 = arith.muli %parallel_loop3A_55, %parallel_loop3A_228 : i32
        %parallel_loop3A_230 = arith.constant 14 : i32
        %parallel_loop3A_231 = arith.index_cast %parallel_loop3A_39 : i32 to index
        %parallel_loop3A_232 = arith.index_cast %parallel_loop3A_230 : i32 to index
        %parallel_loop3A_233 = arith.index_cast %parallel_loop3A_229 : i32 to index
        %parallel_loop3A_234 = tpu.vector_load %arg7[%parallel_loop3A_231, %parallel_loop3A_232, %parallel_loop3A_233] {strides = array<i32>} : memref<8x32x128xf32, #tpu.memory_space<vmem>>, vector<16xf32>,
        tpu.vector_store %arg7[%parallel_loop3A_231, %parallel_loop3A_232, %parallel_loop3A_233], %parallel_loop3A_227 {strides = array<i32>} : memref<8x32x128xf32, #tpu.memory_space<vmem>>, vector<16xf32>,
        %parallel_loop3A_235 = arith.constant 15 : i32
        %parallel_loop3A_236 = vector.broadcast %parallel_loop3A_235 : i32 to vector<16xi32>
        %parallel_loop3A_237 = arith.addi %parallel_loop3A_69, %parallel_loop3A_236 : vector<16xi32>
        %parallel_loop3A_238 = tpu.vector_load_idx %arg5[%parallel_loop3A_63, %parallel_loop3A_237] : memref<8x128xf32, #tpu.memory_space<vmem>>[vector<16xi32>, vector<16xi32>], vector<16xf32>,
        %parallel_loop3A_239 = arith.constant 16 : i32
        %parallel_loop3A_240 = arith.muli %parallel_loop3A_55, %parallel_loop3A_239 : i32
        %parallel_loop3A_241 = arith.constant 15 : i32
        %parallel_loop3A_242 = arith.index_cast %parallel_loop3A_39 : i32 to index
        %parallel_loop3A_243 = arith.index_cast %parallel_loop3A_241 : i32 to index
        %parallel_loop3A_244 = arith.index_cast %parallel_loop3A_240 : i32 to index
        %parallel_loop3A_245 = tpu.vector_load %arg7[%parallel_loop3A_242, %parallel_loop3A_243, %parallel_loop3A_244] {strides = array<i32>} : memref<8x32x128xf32, #tpu.memory_space<vmem>>, vector<16xf32>,
        tpu.vector_store %arg7[%parallel_loop3A_242, %parallel_loop3A_243, %parallel_loop3A_244], %parallel_loop3A_238 {strides = array<i32>} : memref<8x32x128xf32, #tpu.memory_space<vmem>>, vector<16xf32>,
        %parallel_loop3A_246 = arith.constant 16 : i32
        %parallel_loop3A_247 = vector.broadcast %parallel_loop3A_246 : i32 to vector<16xi32>
        %parallel_loop3A_248 = arith.addi %parallel_loop3A_69, %parallel_loop3A_247 : vector<16xi32>
        %parallel_loop3A_249 = tpu.vector_load_idx %arg5[%parallel_loop3A_63, %parallel_loop3A_248] : memref<8x128xf32, #tpu.memory_space<vmem>>[vector<16xi32>, vector<16xi32>], vector<16xf32>,
        %parallel_loop3A_250 = arith.constant 16 : i32
        %parallel_loop3A_251 = arith.muli %parallel_loop3A_55, %parallel_loop3A_250 : i32
        %parallel_loop3A_252 = arith.constant 16 : i32
        %parallel_loop3A_253 = arith.index_cast %parallel_loop3A_39 : i32 to index
        %parallel_loop3A_254 = arith.index_cast %parallel_loop3A_252 : i32 to index
        %parallel_loop3A_255 = arith.index_cast %parallel_loop3A_251 : i32 to index
        %parallel_loop3A_256 = tpu.vector_load %arg7[%parallel_loop3A_253, %parallel_loop3A_254, %parallel_loop3A_255] {strides = array<i32>} : memref<8x32x128xf32, #tpu.memory_space<vmem>>, vector<16xf32>,
        tpu.vector_store %arg7[%parallel_loop3A_253, %parallel_loop3A_254, %parallel_loop3A_255], %parallel_loop3A_249 {strides = array<i32>} : memref<8x32x128xf32, #tpu.memory_space<vmem>>, vector<16xf32>,
        %parallel_loop3A_257 = arith.constant 17 : i32
        %parallel_loop3A_258 = vector.broadcast %parallel_loop3A_257 : i32 to vector<16xi32>
        %parallel_loop3A_259 = arith.addi %parallel_loop3A_69, %parallel_loop3A_258 : vector<16xi32>
        %parallel_loop3A_260 = tpu.vector_load_idx %arg5[%parallel_loop3A_63, %parallel_loop3A_259] : memref<8x128xf32, #tpu.memory_space<vmem>>[vector<16xi32>, vector<16xi32>], vector<16xf32>,
        %parallel_loop3A_261 = arith.constant 16 : i32
        %parallel_loop3A_262 = arith.muli %parallel_loop3A_55, %parallel_loop3A_261 : i32
        %parallel_loop3A_263 = arith.constant 17 : i32
        %parallel_loop3A_264 = arith.index_cast %parallel_loop3A_39 : i32 to index
        %parallel_loop3A_265 = arith.index_cast %parallel_loop3A_263 : i32 to index
        %parallel_loop3A_266 = arith.index_cast %parallel_loop3A_262 : i32 to index
        %parallel_loop3A_267 = tpu.vector_load %arg7[%parallel_loop3A_264, %parallel_loop3A_265, %parallel_loop3A_266] {strides = array<i32>} : memref<8x32x128xf32, #tpu.memory_space<vmem>>, vector<16xf32>,
        tpu.vector_store %arg7[%parallel_loop3A_264, %parallel_loop3A_265, %parallel_loop3A_266], %parallel_loop3A_260 {strides = array<i32>} : memref<8x32x128xf32, #tpu.memory_space<vmem>>, vector<16xf32>,
        %parallel_loop3A_268 = arith.constant 18 : i32
        %parallel_loop3A_269 = vector.broadcast %parallel_loop3A_268 : i32 to vector<16xi32>
        %parallel_loop3A_270 = arith.addi %parallel_loop3A_69, %parallel_loop3A_269 : vector<16xi32>
        %parallel_loop3A_271 = tpu.vector_load_idx %arg5[%parallel_loop3A_63, %parallel_loop3A_270] : memref<8x128xf32, #tpu.memory_space<vmem>>[vector<16xi32>, vector<16xi32>], vector<16xf32>,
        %parallel_loop3A_272 = arith.constant 16 : i32
        %parallel_loop3A_273 = arith.muli %parallel_loop3A_55, %parallel_loop3A_272 : i32
        %parallel_loop3A_274 = arith.constant 18 : i32
        %parallel_loop3A_275 = arith.index_cast %parallel_loop3A_39 : i32 to index
        %parallel_loop3A_276 = arith.index_cast %parallel_loop3A_274 : i32 to index
        %parallel_loop3A_277 = arith.index_cast %parallel_loop3A_273 : i32 to index
        %parallel_loop3A_278 = tpu.vector_load %arg7[%parallel_loop3A_275, %parallel_loop3A_276, %parallel_loop3A_277] {strides = array<i32>} : memref<8x32x128xf32, #tpu.memory_space<vmem>>, vector<16xf32>,
        tpu.vector_store %arg7[%parallel_loop3A_275, %parallel_loop3A_276, %parallel_loop3A_277], %parallel_loop3A_271 {strides = array<i32>} : memref<8x32x128xf32, #tpu.memory_space<vmem>>, vector<16xf32>,
        %parallel_loop3A_279 = arith.constant 19 : i32
        %parallel_loop3A_280 = vector.broadcast %parallel_loop3A_279 : i32 to vector<16xi32>
        %parallel_loop3A_281 = arith.addi %parallel_loop3A_69, %parallel_loop3A_280 : vector<16xi32>
        %parallel_loop3A_282 = tpu.vector_load_idx %arg5[%parallel_loop3A_63, %parallel_loop3A_281] : memref<8x128xf32, #tpu.memory_space<vmem>>[vector<16xi32>, vector<16xi32>], vector<16xf32>,
        %parallel_loop3A_283 = arith.constant 16 : i32
        %parallel_loop3A_284 = arith.muli %parallel_loop3A_55, %parallel_loop3A_283 : i32
        %parallel_loop3A_285 = arith.constant 19 : i32
        %parallel_loop3A_286 = arith.index_cast %parallel_loop3A_39 : i32 to index
        %parallel_loop3A_287 = arith.index_cast %parallel_loop3A_285 : i32 to index
        %parallel_loop3A_288 = arith.index_cast %parallel_loop3A_284 : i32 to index
        %parallel_loop3A_289 = tpu.vector_load %arg7[%parallel_loop3A_286, %parallel_loop3A_287, %parallel_loop3A_288] {strides = array<i32>} : memref<8x32x128xf32, #tpu.memory_space<vmem>>, vector<16xf32>,
        tpu.vector_store %arg7[%parallel_loop3A_286, %parallel_loop3A_287, %parallel_loop3A_288], %parallel_loop3A_282 {strides = array<i32>} : memref<8x32x128xf32, #tpu.memory_space<vmem>>, vector<16xf32>,
        %parallel_loop3A_290 = arith.constant 20 : i32
        %parallel_loop3A_291 = vector.broadcast %parallel_loop3A_290 : i32 to vector<16xi32>
        %parallel_loop3A_292 = arith.addi %parallel_loop3A_69, %parallel_loop3A_291 : vector<16xi32>
        %parallel_loop3A_293 = tpu.vector_load_idx %arg5[%parallel_loop3A_63, %parallel_loop3A_292] : memref<8x128xf32, #tpu.memory_space<vmem>>[vector<16xi32>, vector<16xi32>], vector<16xf32>,
        %parallel_loop3A_294 = arith.constant 16 : i32
        %parallel_loop3A_295 = arith.muli %parallel_loop3A_55, %parallel_loop3A_294 : i32
        %parallel_loop3A_296 = arith.constant 20 : i32
        %parallel_loop3A_297 = arith.index_cast %parallel_loop3A_39 : i32 to index
        %parallel_loop3A_298 = arith.index_cast %parallel_loop3A_296 : i32 to index
        %parallel_loop3A_299 = arith.index_cast %parallel_loop3A_295 : i32 to index
        %parallel_loop3A_300 = tpu.vector_load %arg7[%parallel_loop3A_297, %parallel_loop3A_298, %parallel_loop3A_299] {strides = array<i32>} : memref<8x32x128xf32, #tpu.memory_space<vmem>>, vector<16xf32>,
        tpu.vector_store %arg7[%parallel_loop3A_297, %parallel_loop3A_298, %parallel_loop3A_299], %parallel_loop3A_293 {strides = array<i32>} : memref<8x32x128xf32, #tpu.memory_space<vmem>>, vector<16xf32>,
        %parallel_loop3A_301 = arith.constant 21 : i32
        %parallel_loop3A_302 = vector.broadcast %parallel_loop3A_301 : i32 to vector<16xi32>
        %parallel_loop3A_303 = arith.addi %parallel_loop3A_69, %parallel_loop3A_302 : vector<16xi32>
        %parallel_loop3A_304 = tpu.vector_load_idx %arg5[%parallel_loop3A_63, %parallel_loop3A_303] : memref<8x128xf32, #tpu.memory_space<vmem>>[vector<16xi32>, vector<16xi32>], vector<16xf32>,
        %parallel_loop3A_305 = arith.constant 16 : i32
        %parallel_loop3A_306 = arith.muli %parallel_loop3A_55, %parallel_loop3A_305 : i32
        %parallel_loop3A_307 = arith.constant 21 : i32
        %parallel_loop3A_308 = arith.index_cast %parallel_loop3A_39 : i32 to index
        %parallel_loop3A_309 = arith.index_cast %parallel_loop3A_307 : i32 to index
        %parallel_loop3A_310 = arith.index_cast %parallel_loop3A_306 : i32 to index
        %parallel_loop3A_311 = tpu.vector_load %arg7[%parallel_loop3A_308, %parallel_loop3A_309, %parallel_loop3A_310] {strides = array<i32>} : memref<8x32x128xf32, #tpu.memory_space<vmem>>, vector<16xf32>,
        tpu.vector_store %arg7[%parallel_loop3A_308, %parallel_loop3A_309, %parallel_loop3A_310], %parallel_loop3A_304 {strides = array<i32>} : memref<8x32x128xf32, #tpu.memory_space<vmem>>, vector<16xf32>,
        %parallel_loop3A_312 = arith.constant 22 : i32
        %parallel_loop3A_313 = vector.broadcast %parallel_loop3A_312 : i32 to vector<16xi32>
        %parallel_loop3A_314 = arith.addi %parallel_loop3A_69, %parallel_loop3A_313 : vector<16xi32>
        %parallel_loop3A_315 = tpu.vector_load_idx %arg5[%parallel_loop3A_63, %parallel_loop3A_314] : memref<8x128xf32, #tpu.memory_space<vmem>>[vector<16xi32>, vector<16xi32>], vector<16xf32>,
        %parallel_loop3A_316 = arith.constant 16 : i32
        %parallel_loop3A_317 = arith.muli %parallel_loop3A_55, %parallel_loop3A_316 : i32
        %parallel_loop3A_318 = arith.constant 22 : i32
        %parallel_loop3A_319 = arith.index_cast %parallel_loop3A_39 : i32 to index
        %parallel_loop3A_320 = arith.index_cast %parallel_loop3A_318 : i32 to index
        %parallel_loop3A_321 = arith.index_cast %parallel_loop3A_317 : i32 to index
        %parallel_loop3A_322 = tpu.vector_load %arg7[%parallel_loop3A_319, %parallel_loop3A_320, %parallel_loop3A_321] {strides = array<i32>} : memref<8x32x128xf32, #tpu.memory_space<vmem>>, vector<16xf32>,
        tpu.vector_store %arg7[%parallel_loop3A_319, %parallel_loop3A_320, %parallel_loop3A_321], %parallel_loop3A_315 {strides = array<i32>} : memref<8x32x128xf32, #tpu.memory_space<vmem>>, vector<16xf32>,
        %parallel_loop3A_323 = arith.constant 23 : i32
        %parallel_loop3A_324 = vector.broadcast %parallel_loop3A_323 : i32 to vector<16xi32>
        %parallel_loop3A_325 = arith.addi %parallel_loop3A_69, %parallel_loop3A_324 : vector<16xi32>
        %parallel_loop3A_326 = tpu.vector_load_idx %arg5[%parallel_loop3A_63, %parallel_loop3A_325] : memref<8x128xf32, #tpu.memory_space<vmem>>[vector<16xi32>, vector<16xi32>], vector<16xf32>,
        %parallel_loop3A_327 = arith.constant 16 : i32
        %parallel_loop3A_328 = arith.muli %parallel_loop3A_55, %parallel_loop3A_327 : i32
        %parallel_loop3A_329 = arith.constant 23 : i32
        %parallel_loop3A_330 = arith.index_cast %parallel_loop3A_39 : i32 to index
        %parallel_loop3A_331 = arith.index_cast %parallel_loop3A_329 : i32 to index
        %parallel_loop3A_332 = arith.index_cast %parallel_loop3A_328 : i32 to index
        %parallel_loop3A_333 = tpu.vector_load %arg7[%parallel_loop3A_330, %parallel_loop3A_331, %parallel_loop3A_332] {strides = array<i32>} : memref<8x32x128xf32, #tpu.memory_space<vmem>>, vector<16xf32>,
        tpu.vector_store %arg7[%parallel_loop3A_330, %parallel_loop3A_331, %parallel_loop3A_332], %parallel_loop3A_326 {strides = array<i32>} : memref<8x32x128xf32, #tpu.memory_space<vmem>>, vector<16xf32>,
        %parallel_loop3A_334 = arith.constant 24 : i32
        %parallel_loop3A_335 = vector.broadcast %parallel_loop3A_334 : i32 to vector<16xi32>
        %parallel_loop3A_336 = arith.addi %parallel_loop3A_69, %parallel_loop3A_335 : vector<16xi32>
        %parallel_loop3A_337 = tpu.vector_load_idx %arg5[%parallel_loop3A_63, %parallel_loop3A_336] : memref<8x128xf32, #tpu.memory_space<vmem>>[vector<16xi32>, vector<16xi32>], vector<16xf32>,
        %parallel_loop3A_338 = arith.constant 16 : i32
        %parallel_loop3A_339 = arith.muli %parallel_loop3A_55, %parallel_loop3A_338 : i32
        %parallel_loop3A_340 = arith.constant 24 : i32
        %parallel_loop3A_341 = arith.index_cast %parallel_loop3A_39 : i32 to index
        %parallel_loop3A_342 = arith.index_cast %parallel_loop3A_340 : i32 to index
        %parallel_loop3A_343 = arith.index_cast %parallel_loop3A_339 : i32 to index
        %parallel_loop3A_344 = tpu.vector_load %arg7[%parallel_loop3A_341, %parallel_loop3A_342, %parallel_loop3A_343] {strides = array<i32>} : memref<8x32x128xf32, #tpu.memory_space<vmem>>, vector<16xf32>,
        tpu.vector_store %arg7[%parallel_loop3A_341, %parallel_loop3A_342, %parallel_loop3A_343], %parallel_loop3A_337 {strides = array<i32>} : memref<8x32x128xf32, #tpu.memory_space<vmem>>, vector<16xf32>,
        %parallel_loop3A_345 = arith.constant 25 : i32
        %parallel_loop3A_346 = vector.broadcast %parallel_loop3A_345 : i32 to vector<16xi32>
        %parallel_loop3A_347 = arith.addi %parallel_loop3A_69, %parallel_loop3A_346 : vector<16xi32>
        %parallel_loop3A_348 = tpu.vector_load_idx %arg5[%parallel_loop3A_63, %parallel_loop3A_347] : memref<8x128xf32, #tpu.memory_space<vmem>>[vector<16xi32>, vector<16xi32>], vector<16xf32>,
        %parallel_loop3A_349 = arith.constant 16 : i32
        %parallel_loop3A_350 = arith.muli %parallel_loop3A_55, %parallel_loop3A_349 : i32
        %parallel_loop3A_351 = arith.constant 25 : i32
        %parallel_loop3A_352 = arith.index_cast %parallel_loop3A_39 : i32 to index
        %parallel_loop3A_353 = arith.index_cast %parallel_loop3A_351 : i32 to index
        %parallel_loop3A_354 = arith.index_cast %parallel_loop3A_350 : i32 to index
        %parallel_loop3A_355 = tpu.vector_load %arg7[%parallel_loop3A_352, %parallel_loop3A_353, %parallel_loop3A_354] {strides = array<i32>} : memref<8x32x128xf32, #tpu.memory_space<vmem>>, vector<16xf32>,
        tpu.vector_store %arg7[%parallel_loop3A_352, %parallel_loop3A_353, %parallel_loop3A_354], %parallel_loop3A_348 {strides = array<i32>} : memref<8x32x128xf32, #tpu.memory_space<vmem>>, vector<16xf32>,
        %parallel_loop3A_356 = arith.constant 26 : i32
        %parallel_loop3A_357 = vector.broadcast %parallel_loop3A_356 : i32 to vector<16xi32>
        %parallel_loop3A_358 = arith.addi %parallel_loop3A_69, %parallel_loop3A_357 : vector<16xi32>
        %parallel_loop3A_359 = tpu.vector_load_idx %arg5[%parallel_loop3A_63, %parallel_loop3A_358] : memref<8x128xf32, #tpu.memory_space<vmem>>[vector<16xi32>, vector<16xi32>], vector<16xf32>,
        %parallel_loop3A_360 = arith.constant 16 : i32
        %parallel_loop3A_361 = arith.muli %parallel_loop3A_55, %parallel_loop3A_360 : i32
        %parallel_loop3A_362 = arith.constant 26 : i32
        %parallel_loop3A_363 = arith.index_cast %parallel_loop3A_39 : i32 to index
        %parallel_loop3A_364 = arith.index_cast %parallel_loop3A_362 : i32 to index
        %parallel_loop3A_365 = arith.index_cast %parallel_loop3A_361 : i32 to index
        %parallel_loop3A_366 = tpu.vector_load %arg7[%parallel_loop3A_363, %parallel_loop3A_364, %parallel_loop3A_365] {strides = array<i32>} : memref<8x32x128xf32, #tpu.memory_space<vmem>>, vector<16xf32>,
        tpu.vector_store %arg7[%parallel_loop3A_363, %parallel_loop3A_364, %parallel_loop3A_365], %parallel_loop3A_359 {strides = array<i32>} : memref<8x32x128xf32, #tpu.memory_space<vmem>>, vector<16xf32>,
        %parallel_loop3A_367 = arith.constant 27 : i32
        %parallel_loop3A_368 = vector.broadcast %parallel_loop3A_367 : i32 to vector<16xi32>
        %parallel_loop3A_369 = arith.addi %parallel_loop3A_69, %parallel_loop3A_368 : vector<16xi32>
        %parallel_loop3A_370 = tpu.vector_load_idx %arg5[%parallel_loop3A_63, %parallel_loop3A_369] : memref<8x128xf32, #tpu.memory_space<vmem>>[vector<16xi32>, vector<16xi32>], vector<16xf32>,
        %parallel_loop3A_371 = arith.constant 16 : i32
        %parallel_loop3A_372 = arith.muli %parallel_loop3A_55, %parallel_loop3A_371 : i32
        %parallel_loop3A_373 = arith.constant 27 : i32
        %parallel_loop3A_374 = arith.index_cast %parallel_loop3A_39 : i32 to index
        %parallel_loop3A_375 = arith.index_cast %parallel_loop3A_373 : i32 to index
        %parallel_loop3A_376 = arith.index_cast %parallel_loop3A_372 : i32 to index
        %parallel_loop3A_377 = tpu.vector_load %arg7[%parallel_loop3A_374, %parallel_loop3A_375, %parallel_loop3A_376] {strides = array<i32>} : memref<8x32x128xf32, #tpu.memory_space<vmem>>, vector<16xf32>,
        tpu.vector_store %arg7[%parallel_loop3A_374, %parallel_loop3A_375, %parallel_loop3A_376], %parallel_loop3A_370 {strides = array<i32>} : memref<8x32x128xf32, #tpu.memory_space<vmem>>, vector<16xf32>,
        %parallel_loop3A_378 = arith.constant 28 : i32
        %parallel_loop3A_379 = vector.broadcast %parallel_loop3A_378 : i32 to vector<16xi32>
        %parallel_loop3A_380 = arith.addi %parallel_loop3A_69, %parallel_loop3A_379 : vector<16xi32>
        %parallel_loop3A_381 = tpu.vector_load_idx %arg5[%parallel_loop3A_63, %parallel_loop3A_380] : memref<8x128xf32, #tpu.memory_space<vmem>>[vector<16xi32>, vector<16xi32>], vector<16xf32>,
        %parallel_loop3A_382 = arith.constant 16 : i32
        %parallel_loop3A_383 = arith.muli %parallel_loop3A_55, %parallel_loop3A_382 : i32
        %parallel_loop3A_384 = arith.constant 28 : i32
        %parallel_loop3A_385 = arith.index_cast %parallel_loop3A_39 : i32 to index
        %parallel_loop3A_386 = arith.index_cast %parallel_loop3A_384 : i32 to index
        %parallel_loop3A_387 = arith.index_cast %parallel_loop3A_383 : i32 to index
        %parallel_loop3A_388 = tpu.vector_load %arg7[%parallel_loop3A_385, %parallel_loop3A_386, %parallel_loop3A_387] {strides = array<i32>} : memref<8x32x128xf32, #tpu.memory_space<vmem>>, vector<16xf32>,
        tpu.vector_store %arg7[%parallel_loop3A_385, %parallel_loop3A_386, %parallel_loop3A_387], %parallel_loop3A_381 {strides = array<i32>} : memref<8x32x128xf32, #tpu.memory_space<vmem>>, vector<16xf32>,
        %parallel_loop3A_389 = arith.constant 29 : i32
        %parallel_loop3A_390 = vector.broadcast %parallel_loop3A_389 : i32 to vector<16xi32>
        %parallel_loop3A_391 = arith.addi %parallel_loop3A_69, %parallel_loop3A_390 : vector<16xi32>
        %parallel_loop3A_392 = tpu.vector_load_idx %arg5[%parallel_loop3A_63, %parallel_loop3A_391] : memref<8x128xf32, #tpu.memory_space<vmem>>[vector<16xi32>, vector<16xi32>], vector<16xf32>,
        %parallel_loop3A_393 = arith.constant 16 : i32
        %parallel_loop3A_394 = arith.muli %parallel_loop3A_55, %parallel_loop3A_393 : i32
        %parallel_loop3A_395 = arith.constant 29 : i32
        %parallel_loop3A_396 = arith.index_cast %parallel_loop3A_39 : i32 to index
        %parallel_loop3A_397 = arith.index_cast %parallel_loop3A_395 : i32 to index
        %parallel_loop3A_398 = arith.index_cast %parallel_loop3A_394 : i32 to index
        %parallel_loop3A_399 = tpu.vector_load %arg7[%parallel_loop3A_396, %parallel_loop3A_397, %parallel_loop3A_398] {strides = array<i32>} : memref<8x32x128xf32, #tpu.memory_space<vmem>>, vector<16xf32>,
        tpu.vector_store %arg7[%parallel_loop3A_396, %parallel_loop3A_397, %parallel_loop3A_398], %parallel_loop3A_392 {strides = array<i32>} : memref<8x32x128xf32, #tpu.memory_space<vmem>>, vector<16xf32>,
        %parallel_loop3A_400 = arith.constant 30 : i32
        %parallel_loop3A_401 = vector.broadcast %parallel_loop3A_400 : i32 to vector<16xi32>
        %parallel_loop3A_402 = arith.addi %parallel_loop3A_69, %parallel_loop3A_401 : vector<16xi32>
        %parallel_loop3A_403 = tpu.vector_load_idx %arg5[%parallel_loop3A_63, %parallel_loop3A_402] : memref<8x128xf32, #tpu.memory_space<vmem>>[vector<16xi32>, vector<16xi32>], vector<16xf32>,
        %parallel_loop3A_404 = arith.constant 16 : i32
        %parallel_loop3A_405 = arith.muli %parallel_loop3A_55, %parallel_loop3A_404 : i32
        %parallel_loop3A_406 = arith.constant 30 : i32
        %parallel_loop3A_407 = arith.index_cast %parallel_loop3A_39 : i32 to index
        %parallel_loop3A_408 = arith.index_cast %parallel_loop3A_406 : i32 to index
        %parallel_loop3A_409 = arith.index_cast %parallel_loop3A_405 : i32 to index
        %parallel_loop3A_410 = tpu.vector_load %arg7[%parallel_loop3A_407, %parallel_loop3A_408, %parallel_loop3A_409] {strides = array<i32>} : memref<8x32x128xf32, #tpu.memory_space<vmem>>, vector<16xf32>,
        tpu.vector_store %arg7[%parallel_loop3A_407, %parallel_loop3A_408, %parallel_loop3A_409], %parallel_loop3A_403 {strides = array<i32>} : memref<8x32x128xf32, #tpu.memory_space<vmem>>, vector<16xf32>,
        %parallel_loop3A_411 = arith.constant 31 : i32
        %parallel_loop3A_412 = vector.broadcast %parallel_loop3A_411 : i32 to vector<16xi32>
        %parallel_loop3A_413 = arith.addi %parallel_loop3A_69, %parallel_loop3A_412 : vector<16xi32>
        %parallel_loop3A_414 = tpu.vector_load_idx %arg5[%parallel_loop3A_63, %parallel_loop3A_413] : memref<8x128xf32, #tpu.memory_space<vmem>>[vector<16xi32>, vector<16xi32>], vector<16xf32>,
        %parallel_loop3A_415 = arith.constant 16 : i32
        %parallel_loop3A_416 = arith.muli %parallel_loop3A_55, %parallel_loop3A_415 : i32
        %parallel_loop3A_417 = arith.constant 31 : i32
        %parallel_loop3A_418 = arith.index_cast %parallel_loop3A_39 : i32 to index
        %parallel_loop3A_419 = arith.index_cast %parallel_loop3A_417 : i32 to index
        %parallel_loop3A_420 = arith.index_cast %parallel_loop3A_416 : i32 to index
        %parallel_loop3A_421 = tpu.vector_load %arg7[%parallel_loop3A_418, %parallel_loop3A_419, %parallel_loop3A_420] {strides = array<i32>} : memref<8x32x128xf32, #tpu.memory_space<vmem>>, vector<16xf32>,
        tpu.vector_store %arg7[%parallel_loop3A_418, %parallel_loop3A_419, %parallel_loop3A_420], %parallel_loop3A_414 {strides = array<i32>} : memref<8x32x128xf32, #tpu.memory_space<vmem>>, vector<16xf32>,
      } {sc.loop_unroll_factor = 2 : i64, sc.parallel_access}
      %mul3A_13 = arith.constant 8 : i32
      %mul3A_14 = arith.muli %scan3A_8, %mul3A_13 : i32
      "tpu.region"() ({
        %run_scoped3A = tpu.sem_alloc : memref<!tpu.dma_semaphore, #tpu.memory_space<semaphore_mem>>
        %dma_start3A = arith.constant 0 : i32
        %dma_start3A_15 = tpu.memref_slice %arg4[%mul3A_14, %dma_start3A, %mul3A_2] : memref<200x32x4096xf32, #tpu.memory_space<hbm>> -> memref<8x32x128xf32, #tpu.memory_space<hbm>>
        %dma_start3A_16 = arith.constant 0 : i32
        %dma_start3A_17 = tpu.memref_slice %arg4[%mul3A_14, %dma_start3A_16, %mul3A_2] : memref<200x32x4096xf32, #tpu.memory_space<hbm>> -> memref<8x32x128xf32, #tpu.memory_space<hbm>>
        tpu.enqueue_dma source(%arg7 : memref<8x32x128xf32, #tpu.memory_space<vmem>>) target(%dma_start3A_17 : memref<8x32x128xf32, #tpu.memory_space<hbm>>) target_semaphore(%run_scoped3A : memref<!tpu.dma_semaphore, #tpu.memory_space<semaphore_mem>>)
        %dma_wait3A = arith.constant 0 : i32
        %dma_wait3A_18 = tpu.memref_slice %arg4[%mul3A_14, %dma_wait3A, %mul3A_2] : memref<200x32x4096xf32, #tpu.memory_space<hbm>> -> memref<8x32x128xf32, #tpu.memory_space<hbm>>
        %dma_wait3A_19 = arith.constant 0 : i32
        %dma_wait3A_20 = tpu.memref_slice %arg4[%mul3A_14, %dma_wait3A_19, %mul3A_2] : memref<200x32x4096xf32, #tpu.memory_space<hbm>> -> memref<8x32x128xf32, #tpu.memory_space<hbm>>
        tpu.wait_dma2 semaphore(%run_scoped3A : memref<!tpu.dma_semaphore, #tpu.memory_space<semaphore_mem>>) src(%arg7 : memref<8x32x128xf32, #tpu.memory_space<vmem>>) dst(%dma_wait3A_20 : memref<8x32x128xf32, #tpu.memory_space<hbm>>)
        tpu.yield
      }) : () -> ()
    }
    %scan3A_7 = arith.constant 25 : i32
    return
  }
}

</mosaic_0001>

<sc_bundles>
// kernel: _sc_gather_t.3.cloned.1.call-start
scs
__scs_entry_jumppad:
0x0: {  	(pc) =	sbr.rel $0x88, $3  }
0x1: {  	(tag) =	ssettag $0x0;
	lr =	simm.s32 $0x1  }
0x2: {  	[smem:$0x3F9F] =	sst lr;
	_ =	strace $0xD0000000  }
0x3: {  	_ = 	snop  }
0x4: {  	_ = 	snop  }
0x5: {  	_ = 	snop  }
0x6: {  	_ = 	snop  }
0x7: {  	_ = 	snop  }
__scs_overlays_trampoline_lowered:
0x8: {  	[smem:$0x3FAE] =	sst s0  }
0x9: {  	[smem:$0x3FAF] =	sst s1  }
0xa: {  	[smem:$0x3FB0] =	sst s2  }
0xb: {  	[smem:$0x3FB1] =	sst s3  }
0xc: {  	[smem:$0x3FB2] =	sst s4  }
0xd: {  	[smem:$0x3FB3] =	sst s5  }
0xe: {  	[smem:$0x3FB4] =	sst s6  }
0xf: {  	[smem:$0x3FB5] =	sst s7  }
0x10: {  	[smem:$0x3FB6] =	sst s8  }
0x11: {  	[smem:$0x3FB7] =	sst s9;
	s0 =	simm.s32 @!p0 $0x0  }
0x12: {  	s1 =	sld [smem:$0x3F9D];
	s0 =	simm.s32 @p0 $0x1  }
0x13: {  	[smem:$0x3FB8] =	sst s0;
	s0 =	simm.s32 @!p1 $0x0  }
0x14: {  	s2 =	sld [smem:$0x3F9C];
	s0 =	simm.s32 @p1 $0x1  }
0x15: {  	[smem:$0x3FB9] =	sst s0;
	s0 =	simm.s32 @!p2 $0x0  }
0x16: {  	s3 =	sld [smem:$0x3FDB];
	s0 =	simm.s32 @p2 $0x1  }
0x17: {  	s4 =	simm.s32 $0x1BF5;
	[smem:$0x3FBB] =	sst s0  }
0x18: {  	s0 =	sld [smem:$0x3F9E];
	_ =	swait.ge [sflag:s4], $0x0  }
0x19: {  	s7 =	sld [smem:$0x3F9F]  }
0x1a: {  	s8 =	sadd.s32 $0xFFFFE003, lr  }
0x1b: {  	s9 =	sadd.s32 $0xFFFFFEF7, lr;
	s5 =	simm.s32 $0xFFFFFFFF;
	p2 =	slt.u32 s8, $0xFFFFF086  }
0x1c: {  	p1 =	slt.u32 s9, $0xF7A;
	s5 =	simm.s32 @!p2 $0x0  }
0x1d: {  	s5 =	simm.s32 @p1 $0x1;
	p0 =	seq.s32 s7, s2  }
0x1e: {  	s7 =	smul.u32 @!p0 $0xF7A, s2;
	p2 =	seq.s32 @!p0 s5, $0x0  }
0x1f: {  	s9 =	smul.u32 $0xF7A, s1;
	s8 =	simm.s32 @!p0 $0x1BF5;
	p2 =	por !p2, p0  }
0x20: {  	[sflag:s8] =	ssyncset.s32 @!p0 $0xFFFFF086;
	s6 =	sadd.s32 @!p0 s3, s7;
	s7 =	simm.s32 @!p0 $0x108  }
0x21: {  	s3 =	sadd.s32 s3, s9;
	s6 =	sadd.s32 @!p0 $0x88, s6;
	s7 =	simm.s32 @p2 $0x1082  }
0x22: {  	[simem:s7], [sflag:s8] =	dma.local @!p0 [hbm:s6], $0xF7A  }
0x23: {  	s9 =	sor.u32 $0xD0000000, s2;
	s6 =	simm.s32 $0x108;
	_ =	swait.ge @!p0 [sflag:s8], $0x0  }
0x24: {  	s3 =	sadd.s32 $0x88, s3;
	s6 =	simm.s32 @!p1 $0x1082;
	[sflag:s4] =	ssyncset.s32 $0xFFFFF086  }
0x25: {  	[simem:s6], [sflag:s4] =	dma.local [hbm:s3], $0xF7A  }
0x26: {  	[smem:$0x3F9F] =	sst s1;
	(tag) =	ssettag s2;
	_ =	strace s9  }
0x27: {  	s1 =	sld [smem:$0x3FAF]  }
0x28: {  	s2 =	sld [smem:$0x3FB0]  }
0x29: {  	s4 =	sld [smem:$0x3FB2]  }
0x2a: {  	p0 =	seq.s32 s5, $0x0;
	s5 =	sld [smem:$0x3FB3]  }
0x2b: {  	s6 =	sld [smem:$0x3FB4]  }
0x2c: {  	s7 =	sld [smem:$0x3FB5]  }
0x2d: {  	s3 =	simm.s32 $0x108;
	s8 =	sld [smem:$0x3FB6]  }
0x2e: {  	s3 =	simm.s32 @!p0 $0x1082;
	s9 =	sld [smem:$0x3FB7]  }
0x2f: {  	lr =	sadd.s32 s0, s3;
	s0 =	sld [smem:$0x3FAE]  }
0x30: {  	s3 =	sld [smem:$0x3FB1]  }
0x31: {  	[smem:$0x3FBA] =	sst s10  }
0x32: {  	s10 =	sld [smem:$0x3FB8];
	_ =	sdelay $0x3  }
0x33: {  	p0 =	seq.s32 s10, $0x1;
	s10 =	sld [smem:$0x3FBA];
	_ =	sdelay $0x3  }
0x34: {  	[smem:$0x3FBA] =	sst s10  }
0x35: {  	s10 =	sld [smem:$0x3FB9];
	_ =	sdelay $0x3  }
0x36: {  	p1 =	seq.s32 s10, $0x1;
	s10 =	sld [smem:$0x3FBA];
	_ =	sdelay $0x3  }
0x37: {  	[smem:$0x3FBA] =	sst s10  }
0x38: {  	s10 =	sld [smem:$0x3FBB]  }
0x39: {  	_ = 	snop;
	(pc) =	sbr.ind lr, $3  }
0x3a: {  	_ = 	snop  }
0x3b: {  	_ = 	snop  }
0x3c: {  	p2 =	seq.s32 s10, $0x1;
	s10 =	sld [smem:$0x3FBA]  }
0x3d: {  	_ =	shalt  }
0x3e: {  	_ =	shalt  }
0x3f: {  	_ =	shalt  }
0x40: {  	_ =	shalt  }
0x41: {  	_ =	shalt  }
0x42: {  	_ =	shalt  }
0x43: {  	_ =	shalt  }
0x44: {  	_ =	shalt  }
0x45: {  	_ =	shalt  }
0x46: {  	_ =	shalt  }
0x47: {  	_ =	shalt  }
0x48: {  	_ =	shalt  }
0x49: {  	_ =	shalt  }
0x4a: {  	_ =	shalt  }
0x4b: {  	_ =	shalt  }
0x4c: {  	_ =	shalt  }
0x4d: {  	_ =	shalt  }
0x4e: {  	_ =	shalt  }
0x4f: {  	_ =	shalt  }
0x50: {  	_ =	shalt  }
0x51: {  	_ =	shalt  }
0x52: {  	_ =	shalt  }
0x53: {  	_ =	shalt  }
0x54: {  	_ =	shalt  }
0x55: {  	_ =	shalt  }
0x56: {  	_ =	shalt  }
0x57: {  	_ =	shalt  }
0x58: {  	_ =	shalt  }
0x59: {  	_ =	shalt  }
0x5a: {  	_ =	shalt  }
0x5b: {  	_ =	shalt  }
0x5c: {  	_ =	shalt  }
0x5d: {  	_ =	shalt  }
0x5e: {  	_ =	shalt  }
0x5f: {  	_ =	shalt  }
0x60: {  	_ =	shalt  }
0x61: {  	_ =	shalt  }
0x62: {  	_ =	shalt  }
0x63: {  	_ =	shalt  }
0x64: {  	_ =	shalt  }
0x65: {  	_ =	shalt  }
0x66: {  	_ =	shalt  }
0x67: {  	_ =	shalt  }
0x68: {  	_ =	shalt  }
0x69: {  	_ =	shalt  }
0x6a: {  	_ =	shalt  }
0x6b: {  	_ =	shalt  }
0x6c: {  	_ =	shalt  }
0x6d: {  	_ =	shalt  }
0x6e: {  	_ =	shalt  }
0x6f: {  	_ =	shalt  }
0x70: {  	_ =	shalt  }
0x71: {  	_ =	shalt  }
0x72: {  	_ =	shalt  }
0x73: {  	_ =	shalt  }
0x74: {  	_ =	shalt  }
0x75: {  	_ =	shalt  }
0x76: {  	_ =	shalt  }
0x77: {  	_ =	shalt  }
0x78: {  	_ =	shalt  }
0x79: {  	_ =	shalt  }
0x7a: {  	_ =	shalt  }
0x7b: {  	_ =	shalt  }
0x7c: {  	_ =	shalt  }
0x7d: {  	_ =	shalt  }
0x7e: {  	_ =	shalt  }
0x7f: {  	_ =	shalt  }
0x80: {  	_ =	shalt  }
0x81: {  	_ =	shalt  }
0x82: {  	_ =	shalt  }
0x83: {  	_ =	shalt  }
0x84: {  	_ =	shalt  }
0x85: {  	_ =	shalt  }
0x86: {  	_ =	shalt  }
0x87: {  	_ =	shalt  }
.Lfunc_end0:
.L_simem_size_0:
called_computation_lowered:
.L_overlay_start_0:
0x88: {  	s2 =	sld [smem:$0x3FD9]  }
0x89: {  	s3 =	sld [smem:$0x3FFE];
	_ =	sdelay $0x1  }
0x8a: {  	s1 =	srdreg.scid  }
0x8b: {  	s0 =	sand.u32 $0x1, s1  }
0x8c: {  	s18 =	sshll.u32 s0, $0xA;
	s2 =	sadd.s32 s3, s2  }
0x8d: {  	s2 =	sadd.s32 s2, s18  }
0x8e: {  	[smem:$0x3FC6] =	sst s2  }
0x8f: {  	_ = 	snop  }
0x90: {  	s2 =	sld [smem:$0x3FC9]  }
0x91: {  	s19 =	sld [smem:$0x3FC8]  }
0x92: {  	s4 =	sld [smem:$0x3FD0];
	(tm) =	ssettm $0x1  }
0x93: {  	s5 =	sld [smem:$0x3FFB];
	_ =	sdelay $0x3  }
0x94: {  	_ =	strace s5  }
0x95: {  	s5 =	sld [smem:$0x3FFC];
	_ =	sdelay $0x3  }
0x96: {  	_ =	strace s5  }
0x97: {  	s5 =	sld [smem:$0x3FFD];
	_ =	sdelay $0x3  }
0x98: {  	_ =	strace s5  }
0x99: {  	_ =	strace $0x8FFFFFFF  }
0x9a: {  	s20 =	sld [smem:$0x3FDB];
	_ =	sdelay $0x1  }
0x9b: {  	s6 =	simm.s32 $_scs_section_size  }
0x9c: {  	s7 =	simm.s32 $_size__tile_overlayer_lowered;
	s8 =	simm.s32 $_tile_overlayer_lowered  }
0x9d: {  	s23 =	simm.s32 $0x1BFF;
	s22 =	sshll.u32 s8, $0x1;
	s5 =	sadd.s32 s6, s20  }
0x9e: {  	s9 =	simm.s32 $0x0;
	s21 =	sshll.u32 s7, $0x1;
	s7 =	sadd.s32 s22, s5  }
0x9f: {  	[timem:s9], [sflag:s23] =	dma.local [hbm:s7], s21  }
0xa0: {  	_ =	swait.ge [sflag:s23], s21  }
0xa1: {  	s6 =	ssub.s32 $0x0, s21;
	[sflag:s23] =	ssyncset.done $0x0  }
0xa2: {  	[sflag:s23] =	ssyncadd.s32 s6;
	_ =	sdelay $0x1  }
0xa3: {  	s24 =	simm.s32 $0x1B8B  }
0xa4: {  	_ =	swait.ge [sflag:s24], $0x1  }
0xa5: {  	[sflag:s24] =	ssyncset.done $0x0  }
0xa6: {  	s25 =	simm.s32 $0x1B8E;
	[sflag:s24] =	ssyncadd.s32 $0xFFFFFFFF  }
0xa7: {  	s26 =	simm.s32 $execute0_lowered;
	[smem:$0x3FD2] =	sst s25  }
0xa8: {  	s6 =	sshll.u32 s26, $0x1;
	_ =	strace $0x80000046;
	[dreg:$0x1] =	wrdreg $0xFFFFFFFF  }
0xa9: {  	s28 =	simm.s32 $_size_execute0_lowered;
	s5 =	sadd.s32 s5, s6;
	[dreg:$0x0] =	wrdreg $0x0  }
0xaa: {  	s6 =	sshll.u32 s28, $0x1;
	[dreg:$0x2] =	wrdreg s5  }
0xab: {  	[dreg:$0x3] =	wrdreg s6  }
0xac: {  	[dreg:$0x4] =	wrdreg $0xC0  }
0xad: {  	_ =	task [dreg:s9], $0x5FFFF  }
0xae: {  	[dreg:$0x1] =	wrdreg $0xFFFFFFFF  }
0xaf: {  	[dreg:$0x0] =	wrdreg $0x60  }
0xb0: {  	[dreg:$0x2] =	wrdreg s2  }
0xb1: {  	[dreg:$0x3] =	wrdreg s19  }
0xb2: {  	[dreg:$0x4] =	wrdreg s4  }
0xb3: {  	[dreg:$0x5] =	wrdreg $0x9  }
0xb4: {  	_ =	task.clear_ibuf [dreg:s9], $0x6FFFF;
	_ =	strace $0x90000046  }
0xb5: {  	s29 =	simm.s32 $0x9;
	_ =	strace $0x80000048  }
0xb6: {  	_ =	swait.ge [sflag:s29], $0x1  }
0xb7: {  	[sflag:s29] =	ssyncadd.s32 $0xFFFFFFFF  }
0xb8: {  	_ =	strace $0x90000048  }
0xb9: {  	_ =	sfence  }
0xba: {  	s30 =	sld [smem:$0x0];
	_ =	sdelay $0x2  }
0xbb: {  	s31 =	sshll.u32 s1, $0xD;
	s1 =	sshrl.u32 s1, $0x2  }
0xbc: {  	s3 =	sand.u32 $0x4000, s31;
	s1 =	sadd.s32 s1, s30  }
0xbd: {  	s0 =	sor.u32 s3, s0;
	s1 =	sshll.u32 s1, $0x11  }
0xbe: {  	s0 =	sor.u32 s1, s0  }
0xbf: {  	s0 =	sadd.s32 $0x8F2B, s0  }
0xc0: {  	[sflag:s0] =	ssyncadd.remote.s32 $0x1  }
0xc1: {  	_ =	sfence.sel $0xFFFF  }
0xc2: {  	[dreg:$0x0] =	wrdreg $0xFFFFFFFF;
	(pc) =	sbr.abs _section_cstart, $3  }
0xc3: {  	[dreg:$0x1] =	wrdreg $0xFFFFFFFF  }
0xc4: {  	_ =	task.clear_ibuf [dreg:s9], $0x2FFFF;
	_ =	strace $0x9FFFFFFF  }
0xc5: {  	(tm) =	ssettm $0x7FFFFFFF  }
tec
execute0_lowered:
.L_overlay_start_1:
0x0: {  	(tag) =	ssettag $0x1  }
0x1: {  	s1 =	rddreg [dreg:$0x0]  }
0x2: {  	s2 =	rddreg [dreg:$0x1]  }
0x3: {  	s3 =	rddreg [dreg:$0x2];
	s4 =	srdreg.scid  }
0x4: {  	s0 =	rddreg [dreg:$0x3];
	s5 =	simm.s32 $0x0;
	s10 =	simm.s32 $0x8000  }
0x5: {  	s11 =	simm.s32 $0x800;
	s12 =	simm.s32 $0x0;
	s6 =	sand.u32 $0x1, s4  }
0x6: {  	[smem:$0x7FF] =	sst s5;
	s4 =	stileid.u32;
	s7 =	ssub.s32 $0x2, s6  }
0x7: {  	s9 =	sshll.u32 s4, $0xB;
	s6 =	sshll.u32 s6, $0xA;
	s8 =	sshrl.u32 s7, $0x1  }
0x8: {  	_ =	strace $0x80000047;
	s6 =	sor.u32 s6, s9;
	s7 =	ssub.s32 s7, s8  }
0x9: {  	s9 =	simm.s32 $0x400;
	s8 =	simm.s32 $0x1;
	s7 =	smax.u32 s7, $0x1  }
.LBB2_1:
0xa: {  	[tilespmem:s5], [sflag:$0x1] =	stream.linear.gather [hbm4b:s1+s5], $0x400, $0x38;
	[tilespmem:$0x8800] =	vst v63  }
0xb: {  	_ =	swait.ge [sflag:s8], $0x400  }
0xc: {  	[sflag:s8] =	ssyncset.done $0x0  }
0xd: {  	s13 =	simm.s32 $0x0;
	[sflag:s8] =	ssyncadd.s32 $0xFFFFFC00  }
.LBB2_2:
0xe: {  	s14 =	sshll.u32 s13, $0xF  }
0xf: {  	s14 =	sor.u32 s6, s14  }
0x10: {  	s14 =	sshrl.u32 s14, $0x3  }
0x11: {  	s15 =	simm.s32 $0x0;
	s30 =	simm.s32 $0x0;
	s14 =	sadd.s32 s2, s14  }
0x12: {  	[tilespmem:s9], [sflag:$0x1] =	stream.linear.gather [hbm4b:s14+s15], $0x400, $0x38;
	[tilespmem:$0x8800] =	vst v63  }
0x13: {  	s15 =	sand.u32 $0x60, s15;
	s14 =	sand.u32 $0x3FFFFF80, s30;
	_ =	swait.ge [sflag:s8], $0x400  }
0x14: {  	s14 =	sadd.s32 $0x400, s14;
	s16 =	sor.u32 $0x10, s15;
	[sflag:s8] =	ssyncset.done $0x0  }
0x15: {  	s17 =	sor.u32 s16, s14;
	[sflag:s8] =	ssyncadd.s32 $0xFFFFFC00  }
0x16: {  	v0 =	vld [tilespmem:s17+$0x0];
	_ =	sdelay $0x4  }
0x17: {  	v4 =	vshll.u32 v0, $0x5;
	_ =	sdelay $0x2  }
0x18: {  	s14 =	sor.u32 s15, s14  }
0x19: {  	v0 =	vld [tilespmem:s14+$0x0]  }
0x1a: {  	v1 =	vld.idx.msk [tilespmem:v4+s5+$0x0], $0xffff  }
0x1b: {  	s31 =	simm.s32 $0x0;
	v2 =	vor.u32 $0x1, v4  }
0x1c: {  	s14 =	sand.u32 $0x3FFFF000, s31  }
0x1d: {  	s14 =	sor.u32 $0x800, s14  }
0x1e: {  	s22 =	sor.u32 s16, s14;
	v3 =	vshll.u32 v0, $0x5  }
0x1f: {  	[tilespmem:s22+$0x0] =	vst v1  }
0x20: {  	v0 =	vld.idx.msk [tilespmem:v2+s5+$0x0], $0xffff  }
0x21: {  	v1 =	vor.u32 $0x2, v4;
	_ =	sdelay $0x1  }
0x22: {  	v2 =	vld.idx.msk [tilespmem:v3+s5+$0x0], $0xffff  }
0x23: {  	v5 =	vor.u32 $0x1, v3  }
0x24: {  	[tilespmem:s22+$0x80] =	vst v0  }
0x25: {  	v0 =	vld.idx.msk [tilespmem:v1+s5+$0x0], $0xffff  }
0x26: {  	s14 =	sor.u32 s15, s14;
	v1 =	vor.u32 $0x3, v4  }
0x27: {  	[tilespmem:s14+$0x0] =	vst v2  }
0x28: {  	v2 =	vld.idx.msk [tilespmem:v5+s5+$0x0], $0xffff  }
0x29: {  	v5 =	vor.u32 $0x2, v3  }
0x2a: {  	[tilespmem:s22+$0x100] =	vst v0  }
0x2b: {  	v0 =	vld.idx.msk [tilespmem:v1+s5+$0x0], $0xffff  }
0x2c: {  	v1 =	vor.u32 $0x4, v4  }
0x2d: {  	[tilespmem:s14+$0x80] =	vst v2  }
0x2e: {  	v2 =	vld.idx.msk [tilespmem:v5+s5+$0x0], $0xffff  }
0x2f: {  	v5 =	vor.u32 $0x3, v3  }
0x30: {  	[tilespmem:s22+$0x180] =	vst v0  }
0x31: {  	v0 =	vld.idx.msk [tilespmem:v1+s5+$0x0], $0xffff  }
0x32: {  	v1 =	vor.u32 $0x5, v4  }
0x33: {  	[tilespmem:s14+$0x100] =	vst v2  }
0x34: {  	v2 =	vld.idx.msk [tilespmem:v5+s5+$0x0], $0xffff  }
0x35: {  	v5 =	vor.u32 $0x4, v3  }
0x36: {  	[tilespmem:s22+$0x200] =	vst v0  }
0x37: {  	v0 =	vld.idx.msk [tilespmem:v1+s5+$0x0], $0xffff  }
0x38: {  	v1 =	vor.u32 $0x6, v4  }
0x39: {  	[tilespmem:s14+$0x180] =	vst v2  }
0x3a: {  	v2 =	vld.idx.msk [tilespmem:v5+s5+$0x0], $0xffff  }
0x3b: {  	v5 =	vor.u32 $0x5, v3  }
0x3c: {  	[tilespmem:s22+$0x280] =	vst v0  }
0x3d: {  	v0 =	vld.idx.msk [tilespmem:v1+s5+$0x0], $0xffff  }
0x3e: {  	v1 =	vor.u32 $0x7, v4  }
0x3f: {  	[tilespmem:s14+$0x200] =	vst v2  }
0x40: {  	v2 =	vld.idx.msk [tilespmem:v5+s5+$0x0], $0xffff  }
0x41: {  	v5 =	vor.u32 $0x6, v3  }
0x42: {  	[tilespmem:s22+$0x300] =	vst v0  }
0x43: {  	s18 =	simm.s32 $0x20;
	s17 =	simm.s32 $0x20;
	v0 =	vld.idx.msk [tilespmem:v1+s5+$0x0], $0xffff  }
0x44: {  	s16 =	sand.u32 $0x60, s18;
	s15 =	sand.u32 $0x3FFFFF80, s17;
	v1 =	vor.u32 $0x8, v4  }
0x45: {  	s15 =	sadd.s32 $0x400, s15;
	s19 =	sor.u32 $0x10, s16;
	[tilespmem:s14+$0x280] =	vst v2  }
0x46: {  	s18 =	sor.u32 s19, s15;
	v2 =	vld.idx.msk [tilespmem:v5+s5+$0x0], $0xffff  }
0x47: {  	v5 =	vld [tilespmem:s18+$0x0]  }
0x48: {  	v6 =	vor.u32 $0x7, v3;
	[tilespmem:s22+$0x380] =	vst v0  }
0x49: {  	s15 =	sor.u32 s16, s15;
	v1 =	vld.idx.msk [tilespmem:v1+s5+$0x0], $0xffff  }
0x4a: {  	v9 =	vor.u32 $0x9, v4;
	v7 =	vld [tilespmem:s15+$0x0];
	_ =	sdelay $0x1  }
0x4b: {  	[tilespmem:s14+$0x300] =	vst v2;
	v0 =	vshll.u32 v5, $0x5  }
0x4c: {  	v2 =	vld.idx.msk [tilespmem:v6+s5+$0x0], $0xffff  }
0x4d: {  	v5 =	vor.u32 $0x8, v3;
	[tilespmem:s22+$0x400] =	vst v1  }
0x4e: {  	v8 =	vshll.u32 v7, $0x5;
	v1 =	vld.idx.msk [tilespmem:v9+s5+$0x0], $0xffff  }
0x4f: {  	v6 =	vor.u32 $0xA, v4  }
0x50: {  	v7 =	vld.idx.msk [tilespmem:v0+s5+$0x0], $0xffff  }
0x51: {  	s20 =	simm.s32 $0x400;
	[tilespmem:s14+$0x380] =	vst v2;
	v2 =	vor.u32 $0x1, v0  }
0x52: {  	s15 =	sand.u32 $0x3FFFF000, s20;
	v5 =	vld.idx.msk [tilespmem:v5+s5+$0x0], $0xffff  }
0x53: {  	s21 =	sor.u32 $0x800, s15;
	v10 =	vld.idx.msk [tilespmem:v8+s5+$0x0], $0xffff;
	v9 =	vor.u32 $0x9, v3;
	[tilespmem:s22+$0x480] =	vst v1  }
0x54: {  	s15 =	sor.u32 s19, s21;
	v1 =	vor.u32 $0x1, v8;
	v6 =	vld.idx.msk [tilespmem:v6+s5+$0x0], $0xffff  }
0x55: {  	[tilespmem:s15+$0x0] =	vst v7;
	v7 =	vor.u32 $0xB, v4  }
0x56: {  	v2 =	vld.idx.msk [tilespmem:v2+s5+$0x0], $0xffff  }
0x57: {  	s16 =	sor.u32 s16, s21;
	[tilespmem:s14+$0x400] =	vst v5;
	v5 =	vor.u32 $0x2, v0  }
0x58: {  	[tilespmem:s16+$0x0] =	vst v10;
	v9 =	vld.idx.msk [tilespmem:v9+s5+$0x0], $0xffff  }
0x59: {  	v10 =	vor.u32 $0xA, v3;
	v1 =	vld.idx.msk [tilespmem:v1+s5+$0x0], $0xffff;
	[tilespmem:s22+$0x500] =	vst v6  }
0x5a: {  	v6 =	vor.u32 $0x2, v8;
	v7 =	vld.idx.msk [tilespmem:v7+s5+$0x0], $0xffff  }
0x5b: {  	[tilespmem:s15+$0x80] =	vst v2;
	v2 =	vor.u32 $0xC, v4  }
0x5c: {  	v5 =	vld.idx.msk [tilespmem:v5+s5+$0x0], $0xffff  }
0x5d: {  	[tilespmem:s14+$0x480] =	vst v9;
	v9 =	vor.u32 $0x3, v0  }
0x5e: {  	v10 =	vld.idx.msk [tilespmem:v10+s5+$0x0], $0xffff;
	[tilespmem:s16+$0x80] =	vst v1  }
0x5f: {  	v1 =	vor.u32 $0xB, v3;
	v6 =	vld.idx.msk [tilespmem:v6+s5+$0x0], $0xffff;
	[tilespmem:s22+$0x580] =	vst v7  }
0x60: {  	v7 =	vor.u32 $0x3, v8;
	v2 =	vld.idx.msk [tilespmem:v2+s5+$0x0], $0xffff  }
0x61: {  	[tilespmem:s15+$0x100] =	vst v5;
	v5 =	vor.u32 $0xD, v4  }
0x62: {  	v9 =	vld.idx.msk [tilespmem:v9+s5+$0x0], $0xffff  }
0x63: {  	[tilespmem:s14+$0x500] =	vst v10;
	v10 =	vor.u32 $0x4, v0  }
0x64: {  	v1 =	vld.idx.msk [tilespmem:v1+s5+$0x0], $0xffff;
	[tilespmem:s16+$0x100] =	vst v6  }
0x65: {  	v6 =	vor.u32 $0xC, v3;
	v7 =	vld.idx.msk [tilespmem:v7+s5+$0x0], $0xffff;
	[tilespmem:s22+$0x600] =	vst v2  }
0x66: {  	v2 =	vor.u32 $0x4, v8;
	v5 =	vld.idx.msk [tilespmem:v5+s5+$0x0], $0xffff  }
0x67: {  	[tilespmem:s15+$0x180] =	vst v9;
	v9 =	vor.u32 $0xE, v4  }
0x68: {  	v10 =	vld.idx.msk [tilespmem:v10+s5+$0x0], $0xffff  }
0x69: {  	[tilespmem:s14+$0x580] =	vst v1;
	v1 =	vor.u32 $0x5, v0  }
0x6a: {  	v6 =	vld.idx.msk [tilespmem:v6+s5+$0x0], $0xffff;
	[tilespmem:s16+$0x180] =	vst v7  }
0x6b: {  	v7 =	vor.u32 $0xD, v3;
	v2 =	vld.idx.msk [tilespmem:v2+s5+$0x0], $0xffff;
	[tilespmem:s22+$0x680] =	vst v5  }
0x6c: {  	v5 =	vor.u32 $0x5, v8;
	v9 =	vld.idx.msk [tilespmem:v9+s5+$0x0], $0xffff  }
0x6d: {  	[tilespmem:s15+$0x200] =	vst v10;
	v10 =	vor.u32 $0xF, v4  }
0x6e: {  	v1 =	vld.idx.msk [tilespmem:v1+s5+$0x0], $0xffff  }
0x6f: {  	[tilespmem:s14+$0x600] =	vst v6;
	v6 =	vor.u32 $0x6, v0  }
0x70: {  	v7 =	vld.idx.msk [tilespmem:v7+s5+$0x0], $0xffff;
	[tilespmem:s16+$0x200] =	vst v2  }
0x71: {  	v2 =	vor.u32 $0xE, v3;
	v5 =	vld.idx.msk [tilespmem:v5+s5+$0x0], $0xffff;
	[tilespmem:s22+$0x700] =	vst v9  }
0x72: {  	v9 =	vor.u32 $0x6, v8;
	v10 =	vld.idx.msk [tilespmem:v10+s5+$0x0], $0xffff  }
0x73: {  	[tilespmem:s15+$0x280] =	vst v1;
	v1 =	vor.u32 $0x10, v4  }
0x74: {  	v6 =	vld.idx.msk [tilespmem:v6+s5+$0x0], $0xffff  }
0x75: {  	[tilespmem:s14+$0x680] =	vst v7;
	v7 =	vor.u32 $0x7, v0  }
0x76: {  	v2 =	vld.idx.msk [tilespmem:v2+s5+$0x0], $0xffff;
	[tilespmem:s16+$0x280] =	vst v5  }
0x77: {  	v5 =	vor.u32 $0xF, v3;
	v9 =	vld.idx.msk [tilespmem:v9+s5+$0x0], $0xffff;
	[tilespmem:s22+$0x780] =	vst v10  }
0x78: {  	v10 =	vor.u32 $0x7, v8;
	v1 =	vld.idx.msk [tilespmem:v1+s5+$0x0], $0xffff  }
0x79: {  	[tilespmem:s15+$0x300] =	vst v6;
	v6 =	vor.u32 $0x11, v4  }
0x7a: {  	v7 =	vld.idx.msk [tilespmem:v7+s5+$0x0], $0xffff  }
0x7b: {  	s23 =	simm.s32 $0x40;
	s24 =	simm.s32 $0x40;
	[tilespmem:s14+$0x700] =	vst v2;
	v2 =	vor.u32 $0x8, v0  }
0x7c: {  	s17 =	sand.u32 $0x3FFFFF80, s23;
	s18 =	sand.u32 $0x60, s24;
	v5 =	vld.idx.msk [tilespmem:v5+s5+$0x0], $0xffff;
	[tilespmem:s16+$0x300] =	vst v9  }
0x7d: {  	s17 =	sadd.s32 $0x400, s17;
	s19 =	sor.u32 $0x10, s18;
	v9 =	vor.u32 $0x10, v3;
	v10 =	vld.idx.msk [tilespmem:v10+s5+$0x0], $0xffff;
	[tilespmem:s22+$0x800] =	vst v1  }
0x7e: {  	s20 =	sor.u32 s19, s17;
	v1 =	vld.idx.msk [tilespmem:v6+s5+$0x0], $0xffff  }
0x7f: {  	[tilespmem:s15+$0x380] =	vst v7;
	v7 =	vor.u32 $0x12, v4;
	v6 =	vld [tilespmem:s20+$0x0]  }
0x80: {  	s17 =	sor.u32 s18, s17;
	v2 =	vld.idx.msk [tilespmem:v2+s5+$0x0], $0xffff  }
0x81: {  	v11 =	vor.u32 $0x8, v8;
	[tilespmem:s14+$0x780] =	vst v5;
	v5 =	vld [tilespmem:s17+$0x0]  }
0x82: {  	v12 =	vor.u32 $0x9, v0;
	v9 =	vld.idx.msk [tilespmem:v9+s5+$0x0], $0xffff  }
0x83: {  	v13 =	vor.u32 $0x11, v3;
	[tilespmem:s22+$0x880] =	vst v1  }
0x84: {  	v1 =	vshll.u32 v6, $0x5;
	v7 =	vld.idx.msk [tilespmem:v7+s5+$0x0], $0xffff  }
0x85: {  	[tilespmem:s16+$0x380] =	vst v10;
	v6 =	vor.u32 $0x13, v4  }
0x86: {  	v10 =	vld.idx.msk [tilespmem:v11+s5+$0x0], $0xffff;
	[tilespmem:s15+$0x400] =	vst v2;
	v18 =	vshll.u32 v5, $0x5  }
0x87: {  	v2 =	vor.u32 $0x9, v8;
	v5 =	vld.idx.msk [tilespmem:v12+s5+$0x0], $0xffff;
	[tilespmem:s14+$0x800] =	vst v9  }
0x88: {  	v11 =	vor.u32 $0xA, v0;
	v9 =	vld.idx.msk [tilespmem:v13+s5+$0x0], $0xffff  }
0x89: {  	v12 =	vor.u32 $0x12, v3;
	v13 =	vld.idx.msk [tilespmem:v1+s5+$0x0], $0xffff;
	[tilespmem:s22+$0x900] =	vst v7  }
0x8a: {  	s25 =	simm.s32 $0x800;
	v7 =	vor.u32 $0x1, v1;
	v6 =	vld.idx.msk [tilespmem:v6+s5+$0x0], $0xffff  }
0x8b: {  	v14 =	vor.u32 $0x14, v4;
	s17 =	sand.u32 $0x3FFFF000, s25;
	[tilespmem:s16+$0x400] =	vst v10;
	v10 =	vld.idx.msk [tilespmem:v18+s5+$0x0], $0xffff  }
0x8c: {  	s26 =	sor.u32 $0x800, s17;
	v15 =	vor.u32 $0x1, v18;
	v2 =	vld.idx.msk [tilespmem:v2+s5+$0x0], $0xffff;
	[tilespmem:s15+$0x480] =	vst v5  }
0x8d: {  	s17 =	sor.u32 s19, s26;
	v5 =	vor.u32 $0xA, v8;
	[tilespmem:s14+$0x880] =	vst v9;
	v9 =	vld.idx.msk [tilespmem:v11+s5+$0x0], $0xffff  }
0x8e: {  	v11 =	vor.u32 $0xB, v0;
	v12 =	vld.idx.msk [tilespmem:v12+s5+$0x0], $0xffff;
	[tilespmem:s17+$0x0] =	vst v13  }
0x8f: {  	s18 =	sor.u32 s18, s26;
	v13 =	vor.u32 $0x13, v3;
	v7 =	vld.idx.msk [tilespmem:v7+s5+$0x0], $0xffff;
	[tilespmem:s22+$0x980] =	vst v6  }
0x90: {  	[tilespmem:s18+$0x0] =	vst v10;
	v10 =	vor.u32 $0x2, v1;
	v6 =	vld.idx.msk [tilespmem:v14+s5+$0x0], $0xffff  }
0x91: {  	[tilespmem:s16+$0x480] =	vst v2;
	v2 =	vor.u32 $0x15, v4;
	v14 =	vld.idx.msk [tilespmem:v15+s5+$0x0], $0xffff  }
0x92: {  	v5 =	vld.idx.msk [tilespmem:v5+s5+$0x0], $0xffff;
	v15 =	vor.u32 $0x2, v18;
	[tilespmem:s15+$0x500] =	vst v9  }
0x93: {  	v9 =	vor.u32 $0xB, v8;
	v11 =	vld.idx.msk [tilespmem:v11+s5+$0x0], $0xffff;
	[tilespmem:s14+$0x900] =	vst v12  }
0x94: {  	v12 =	vld.idx.msk [tilespmem:v13+s5+$0x0], $0xffff;
	[tilespmem:s17+$0x80] =	vst v7;
	v7 =	vor.u32 $0xC, v0  }
0x95: {  	v13 =	vor.u32 $0x14, v3;
	v10 =	vld.idx.msk [tilespmem:v10+s5+$0x0], $0xffff;
	[tilespmem:s22+$0xA00] =	vst v6  }
0x96: {  	[tilespmem:s18+$0x80] =	vst v14;
	v6 =	vor.u32 $0x3, v1;
	v2 =	vld.idx.msk [tilespmem:v2+s5+$0x0], $0xffff  }
0x97: {  	[tilespmem:s16+$0x500] =	vst v5;
	v5 =	vor.u32 $0x16, v4;
	v14 =	vld.idx.msk [tilespmem:v15+s5+$0x0], $0xffff  }
0x98: {  	v9 =	vld.idx.msk [tilespmem:v9+s5+$0x0], $0xffff;
	v15 =	vor.u32 $0x3, v18;
	[tilespmem:s15+$0x580] =	vst v11  }
0x99: {  	v11 =	vor.u32 $0xC, v8;
	[tilespmem:s14+$0x980] =	vst v12;
	v7 =	vld.idx.msk [tilespmem:v7+s5+$0x0], $0xffff  }
0x9a: {  	v12 =	vld.idx.msk [tilespmem:v13+s5+$0x0], $0xffff;
	[tilespmem:s17+$0x100] =	vst v10;
	v10 =	vor.u32 $0xD, v0  }
0x9b: {  	v13 =	vor.u32 $0x15, v3;
	v6 =	vld.idx.msk [tilespmem:v6+s5+$0x0], $0xffff;
	[tilespmem:s22+$0xA80] =	vst v2  }
0x9c: {  	[tilespmem:s18+$0x100] =	vst v14;
	v2 =	vld.idx.msk [tilespmem:v5+s5+$0x0], $0xffff;
	v5 =	vor.u32 $0x4, v1  }
0x9d: {  	[tilespmem:s16+$0x580] =	vst v9;
	v9 =	vor.u32 $0x17, v4;
	v14 =	vld.idx.msk [tilespmem:v15+s5+$0x0], $0xffff  }
0x9e: {  	v11 =	vld.idx.msk [tilespmem:v11+s5+$0x0], $0xffff;
	v15 =	vor.u32 $0x4, v18;
	[tilespmem:s15+$0x600] =	vst v7  }
0x9f: {  	v7 =	vor.u32 $0xD, v8;
	[tilespmem:s14+$0xA00] =	vst v12;
	v10 =	vld.idx.msk [tilespmem:v10+s5+$0x0], $0xffff  }
0xa0: {  	v12 =	vld.idx.msk [tilespmem:v13+s5+$0x0], $0xffff;
	[tilespmem:s17+$0x180] =	vst v6;
	v6 =	vor.u32 $0xE, v0  }
0xa1: {  	v13 =	vor.u32 $0x16, v3;
	v5 =	vld.idx.msk [tilespmem:v5+s5+$0x0], $0xffff;
	[tilespmem:s22+$0xB00] =	vst v2  }
0xa2: {  	[tilespmem:s18+$0x180] =	vst v14;
	v2 =	vld.idx.msk [tilespmem:v9+s5+$0x0], $0xffff;
	v9 =	vor.u32 $0x5, v1  }
0xa3: {  	[tilespmem:s16+$0x600] =	vst v11;
	v11 =	vor.u32 $0x18, v4;
	v14 =	vld.idx.msk [tilespmem:v15+s5+$0x0], $0xffff  }
0xa4: {  	v15 =	vor.u32 $0x5, v18;
	v7 =	vld.idx.msk [tilespmem:v7+s5+$0x0], $0xffff;
	[tilespmem:s15+$0x680] =	vst v10  }
0xa5: {  	v10 =	vor.u32 $0xE, v8;
	[tilespmem:s14+$0xA80] =	vst v12;
	v6 =	vld.idx.msk [tilespmem:v6+s5+$0x0], $0xffff  }
0xa6: {  	v12 =	vld.idx.msk [tilespmem:v13+s5+$0x0], $0xffff;
	[tilespmem:s17+$0x200] =	vst v5;
	v5 =	vor.u32 $0xF, v0  }
0xa7: {  	v13 =	vor.u32 $0x17, v3;
	v9 =	vld.idx.msk [tilespmem:v9+s5+$0x0], $0xffff;
	[tilespmem:s22+$0xB80] =	vst v2  }
0xa8: {  	[tilespmem:s18+$0x200] =	vst v14;
	v2 =	vld.idx.msk [tilespmem:v11+s5+$0x0], $0xffff;
	v11 =	vor.u32 $0x6, v1  }
0xa9: {  	[tilespmem:s16+$0x680] =	vst v7;
	v7 =	vor.u32 $0x19, v4;
	v14 =	vld.idx.msk [tilespmem:v15+s5+$0x0], $0xffff  }
0xaa: {  	v15 =	vor.u32 $0x6, v18;
	v10 =	vld.idx.msk [tilespmem:v10+s5+$0x0], $0xffff;
	[tilespmem:s15+$0x700] =	vst v6  }
0xab: {  	v6 =	vor.u32 $0xF, v8;
	[tilespmem:s14+$0xB00] =	vst v12;
	v5 =	vld.idx.msk [tilespmem:v5+s5+$0x0], $0xffff  }
0xac: {  	v12 =	vld.idx.msk [tilespmem:v13+s5+$0x0], $0xffff;
	[tilespmem:s17+$0x280] =	vst v9;
	v9 =	vor.u32 $0x10, v0  }
0xad: {  	v13 =	vor.u32 $0x18, v3;
	v11 =	vld.idx.msk [tilespmem:v11+s5+$0x0], $0xffff;
	[tilespmem:s22+$0xC00] =	vst v2  }
0xae: {  	[tilespmem:s18+$0x280] =	vst v14;
	v2 =	vld.idx.msk [tilespmem:v7+s5+$0x0], $0xffff;
	v7 =	vor.u32 $0x7, v1  }
0xaf: {  	[tilespmem:s16+$0x700] =	vst v10;
	v14 =	vld.idx.msk [tilespmem:v15+s5+$0x0], $0xffff  }
0xb0: {  	s28 =	simm.s32 $0x60;
	s21 =	simm.s32 $0x60;
	v10 =	vor.u32 $0x1A, v4;
	v6 =	vld.idx.msk [tilespmem:v6+s5+$0x0], $0xffff;
	[tilespmem:s15+$0x780] =	vst v5  }
0xb1: {  	s29 =	sand.u32 $0x60, s21;
	s19 =	sand.u32 $0x3FFFFF80, s28;
	v15 =	vor.u32 $0x7, v18;
	[tilespmem:s14+$0xB80] =	vst v12;
	v9 =	vld.idx.msk [tilespmem:v9+s5+$0x0], $0xffff  }
0xb2: {  	s23 =	sor.u32 $0x10, s29;
	s19 =	sadd.s32 $0x400, s19;
	v12 =	vld.idx.msk [tilespmem:v13+s5+$0x0], $0xffff;
	[tilespmem:s17+$0x300] =	vst v11;
	v11 =	vor.u32 $0x11, v0  }
0xb3: {  	s24 =	sor.u32 s23, s19;
	v5 =	vor.u32 $0x10, v8;
	v7 =	vld.idx.msk [tilespmem:v7+s5+$0x0], $0xffff;
	[tilespmem:s22+$0xC80] =	vst v2  }
0xb4: {  	[tilespmem:s18+$0x300] =	vst v14;
	v14 =	vld [tilespmem:s24+$0x0]  }
0xb5: {  	[tilespmem:s16+$0x780] =	vst v6;
	v2 =	vld.idx.msk [tilespmem:v10+s5+$0x0], $0xffff;
	v10 =	vor.u32 $0x8, v1  }
0xb6: {  	v6 =	vor.u32 $0x1B, v4;
	v13 =	vld.idx.msk [tilespmem:v15+s5+$0x0], $0xffff;
	[tilespmem:s15+$0x800] =	vst v9  }
0xb7: {  	v9 =	vor.u32 $0x8, v18;
	v11 =	vld.idx.msk [tilespmem:v11+s5+$0x0], $0xffff  }
0xb8: {  	s19 =	sor.u32 s29, s19;
	v5 =	vld.idx.msk [tilespmem:v5+s5+$0x0], $0xffff;
	[tilespmem:s17+$0x380] =	vst v7;
	v7 =	vor.u32 $0x12, v0  }
0xb9: {  	v17 =	vld [tilespmem:s19+$0x0];
	v15 =	vor.u32 $0x11, v8  }
0xba: {  	v16 =	vor.u32 $0x19, v3;
	v10 =	vld.idx.msk [tilespmem:v10+s5+$0x0], $0xffff;
	[tilespmem:s22+$0xD00] =	vst v2  }
0xbb: {  	[tilespmem:s18+$0x380] =	vst v13;
	v13 =	vor.u32 $0x9, v1;
	v6 =	vld.idx.msk [tilespmem:v6+s5+$0x0], $0xffff  }
0xbc: {  	v2 =	vshll.u32 v14, $0x5;
	v9 =	vld.idx.msk [tilespmem:v9+s5+$0x0], $0xffff;
	[tilespmem:s15+$0x880] =	vst v11  }
0xbd: {  	[tilespmem:s16+$0x800] =	vst v5;
	v11 =	vor.u32 $0x1C, v4;
	v5 =	vld.idx.msk [tilespmem:v7+s5+$0x0], $0xffff  }
0xbe: {  	[tilespmem:s14+$0xC00] =	vst v12;
	v14 =	vor.u32 $0x9, v18;
	v7 =	vld.idx.msk [tilespmem:v15+s5+$0x0], $0xffff  }
0xbf: {  	v12 =	vor.u32 $0x13, v0;
	[tilespmem:s17+$0x400] =	vst v10;
	v10 =	vld.idx.msk [tilespmem:v16+s5+$0x0], $0xffff  }
0xc0: {  	v26 =	vshll.u32 v17, $0x5;
	v13 =	vld.idx.msk [tilespmem:v13+s5+$0x0], $0xffff;
	[tilespmem:s22+$0xD80] =	vst v6  }
0xc1: {  	v15 =	vld.idx.msk [tilespmem:v2+s5+$0x0], $0xffff;
	v16 =	vor.u32 $0x12, v8;
	[tilespmem:s18+$0x400] =	vst v9  }
0xc2: {  	s30 =	simm.s32 $0xC00;
	v6 =	vld.idx.msk [tilespmem:v11+s5+$0x0], $0xffff;
	v11 =	vor.u32 $0xA, v1;
	[tilespmem:s15+$0x900] =	vst v5  }
0xc3: {  	s19 =	sand.u32 $0x3FFFF000, s30;
	v14 =	vld.idx.msk [tilespmem:v14+s5+$0x0], $0xffff;
	v5 =	vor.u32 $0x1D, v4;
	[tilespmem:s16+$0x880] =	vst v7  }
0xc4: {  	s31 =	sor.u32 $0x800, s19;
	v9 =	vld.idx.msk [tilespmem:v12+s5+$0x0], $0xffff;
	v12 =	vor.u32 $0x1, v2;
	[tilespmem:s14+$0xC80] =	vst v10  }
0xc5: {  	s19 =	sor.u32 s23, s31;
	v7 =	vld.idx.msk [tilespmem:v26+s5+$0x0], $0xffff;
	[tilespmem:s17+$0x480] =	vst v13;
	v13 =	vor.u32 $0x14, v0  }
0xc6: {  	v17 =	vor.u32 $0x1, v26;
	[tilespmem:s19+$0x0] =	vst v15;
	v15 =	vld.idx.msk [tilespmem:v16+s5+$0x0], $0xffff  }
0xc7: {  	v16 =	vor.u32 $0x13, v8;
	v11 =	vld.idx.msk [tilespmem:v11+s5+$0x0], $0xffff;
	[tilespmem:s22+$0xE00] =	vst v6  }
0xc8: {  	v6 =	vor.u32 $0xA, v18;
	[tilespmem:s18+$0x480] =	vst v14;
	v5 =	vld.idx.msk [tilespmem:v5+s5+$0x0], $0xffff  }
0xc9: {  	s20 =	sor.u32 s29, s31;
	v10 =	vor.u32 $0xB, v1;
	v12 =	vld.idx.msk [tilespmem:v12+s5+$0x0], $0xffff;
	[tilespmem:s15+$0x980] =	vst v9  }
0xca: {  	[tilespmem:s20+$0x0] =	vst v7;
	v9 =	vor.u32 $0x1E, v4;
	v7 =	vld.idx.msk [tilespmem:v13+s5+$0x0], $0xffff  }
0xcb: {  	[tilespmem:s16+$0x900] =	vst v15;
	v13 =	vld.idx.msk [tilespmem:v17+s5+$0x0], $0xffff;
	v17 =	vor.u32 $0x2, v2  }
0xcc: {  	v14 =	vor.u32 $0x2, v26;
	v15 =	vld.idx.msk [tilespmem:v16+s5+$0x0], $0xffff;
	[tilespmem:s17+$0x500] =	vst v11  }
0xcd: {  	v6 =	vld.idx.msk [tilespmem:v6+s5+$0x0], $0xffff;
	v11 =	vor.u32 $0x15, v0;
	[tilespmem:s22+$0xE80] =	vst v5  }
0xce: {  	v10 =	vld.idx.msk [tilespmem:v10+s5+$0x0], $0xffff;
	v5 =	vor.u32 $0xB, v18;
	[tilespmem:s19+$0x80] =	vst v12  }
0xcf: {  	v9 =	vld.idx.msk [tilespmem:v9+s5+$0x0], $0xffff;
	v12 =	vor.u32 $0xC, v1;
	[tilespmem:s15+$0xA00] =	vst v7  }
0xd0: {  	v4 =	vor.u32 $0x1F, v4;
	v16 =	vld.idx.msk [tilespmem:v17+s5+$0x0], $0xffff;
	[tilespmem:s20+$0x80] =	vst v13  }
0xd1: {  	v7 =	vor.u32 $0x14, v8;
	[tilespmem:s16+$0x980] =	vst v15;
	v13 =	vld.idx.msk [tilespmem:v14+s5+$0x0], $0xffff  }
0xd2: {  	v14 =	vor.u32 $0x3, v2;
	v11 =	vld.idx.msk [tilespmem:v11+s5+$0x0], $0xffff;
	[tilespmem:s18+$0x500] =	vst v6  }
0xd3: {  	v6 =	vor.u32 $0x16, v0;
	v5 =	vld.idx.msk [tilespmem:v5+s5+$0x0], $0xffff;
	[tilespmem:s17+$0x580] =	vst v10  }
0xd4: {  	v10 =	vor.u32 $0x3, v26;
	v12 =	vld.idx.msk [tilespmem:v12+s5+$0x0], $0xffff;
	[tilespmem:s22+$0xF00] =	vst v9  }
0xd5: {  	v9 =	vor.u32 $0xC, v18;
	v4 =	vld.idx.msk [tilespmem:v4+s5+$0x0], $0xffff;
	[tilespmem:s19+$0x100] =	vst v16  }
0xd6: {  	v15 =	vor.u32 $0xD, v1;
	v7 =	vld.idx.msk [tilespmem:v7+s5+$0x0], $0xffff;
	[tilespmem:s20+$0x100] =	vst v13  }
0xd7: {  	v16 =	vor.u32 $0x1A, v3;
	v14 =	vld.idx.msk [tilespmem:v14+s5+$0x0], $0xffff;
	[tilespmem:s15+$0xA80] =	vst v11  }
0xd8: {  	v11 =	vor.u32 $0x15, v8;
	v13 =	vld.idx.msk [tilespmem:v6+s5+$0x0], $0xffff;
	[tilespmem:s18+$0x580] =	vst v5  }
0xd9: {  	v17 =	vor.u32 $0x4, v2;
	v10 =	vld.idx.msk [tilespmem:v10+s5+$0x0], $0xffff;
	[tilespmem:s17+$0x600] =	vst v12  }
0xda: {  	v5 =	vld.idx.msk [tilespmem:v9+s5+$0x0], $0xffff;
	v9 =	vor.u32 $0x17, v0;
	[tilespmem:s22+$0xF80] =	vst v4  }
0xdb: {  	v19 =	vor.u32 $0x4, v26;
	v20 =	vld.idx.msk [tilespmem:v15+s5+$0x0], $0xffff;
	[tilespmem:s16+$0xA00] =	vst v7  }
0xdc: {  	v4 =	vor.u32 $0xD, v18;
	v16 =	vld.idx.msk [tilespmem:v16+s5+$0x0], $0xffff;
	[tilespmem:s19+$0x180] =	vst v14  }
0xdd: {  	v23 =	vor.u32 $0xE, v1;
	v11 =	vld.idx.msk [tilespmem:v11+s5+$0x0], $0xffff;
	[tilespmem:s15+$0xB00] =	vst v13  }
0xde: {  	v21 =	vor.u32 $0x1B, v3;
	v17 =	vld.idx.msk [tilespmem:v17+s5+$0x0], $0xffff;
	[tilespmem:s20+$0x180] =	vst v10  }
0xdf: {  	v22 =	vor.u32 $0x1C, v3;
	v38 =	vor.u32 $0x1D, v3;
	v9 =	vld.idx.msk [tilespmem:v9+s5+$0x0], $0xffff;
	[tilespmem:s18+$0x600] =	vst v5  }
0xe0: {  	v28 =	vor.u32 $0x1E, v3;
	v25 =	vor.u32 $0x1F, v3;
	v3 =	vor.u32 $0x16, v8;
	v13 =	vld.idx.msk [tilespmem:v19+s5+$0x0], $0xffff;
	[tilespmem:s17+$0x680] =	vst v20  }
0xe1: {  	v24 =	vor.u32 $0x17, v8;
	v29 =	vld.idx.msk [tilespmem:v4+s5+$0x0], $0xffff;
	[tilespmem:s14+$0xD00] =	vst v16  }
0xe2: {  	v53 =	vor.u32 $0x18, v8;
	v33 =	vor.u32 $0x19, v8;
	v4 =	vor.u32 $0x12, v18;
	v32 =	vld.idx.msk [tilespmem:v23+s5+$0x0], $0xffff;
	[tilespmem:s16+$0xA80] =	vst v11  }
0xe3: {  	v31 =	vor.u32 $0x1A, v8;
	v30 =	vor.u32 $0x1B, v8;
	v27 =	vor.u32 $0x1C, v8;
	v36 =	vld.idx.msk [tilespmem:v21+s5+$0x0], $0xffff;
	[tilespmem:$0x1FF80] =	vst v4  }
0xe4: {  	v12 =	vor.u32 $0x1F, v8;
	v19 =	vor.u32 $0x5, v2;
	v4 =	vor.u32 $0x13, v18;
	[tilespmem:s19+$0x200] =	vst v17  }
0xe5: {  	v15 =	vor.u32 $0x1D, v8;
	v20 =	vor.u32 $0x18, v0;
	v3 =	vld.idx.msk [tilespmem:v3+s5+$0x0], $0xffff;
	[tilespmem:$0x1FF90] =	vst v4;
	v4 =	vor.u32 $0x14, v18  }
0xe6: {  	v14 =	vor.u32 $0x1E, v8;
	v8 =	vor.u32 $0x5, v26;
	[tilespmem:$0x1FFA0] =	vst v4;
	v4 =	vor.u32 $0x15, v18  }
0xe7: {  	v34 =	vor.u32 $0xE, v18;
	[tilespmem:$0x1FFB0] =	vst v4  }
0xe8: {  	v37 =	vor.u32 $0xF, v1;
	[tilespmem:s15+$0xB80] =	vst v9  }
0xe9: {  	v41 =	vor.u32 $0xF, v18;
	v39 =	vld.idx.msk [tilespmem:v19+s5+$0x0], $0xffff;
	[tilespmem:s20+$0x200] =	vst v13  }
0xea: {  	v63 =	vor.u32 $0x11, v18;
	v62 =	vor.u32 $0x16, v18;
	v61 =	vor.u32 $0x17, v18;
	[tilespmem:s18+$0x680] =	vst v29;
	v20 =	vld.idx.msk [tilespmem:v20+s5+$0x0], $0xffff  }
0xeb: {  	v35 =	vor.u32 $0x19, v18;
	v42 =	vor.u32 $0x6, v2;
	v7 =	vor.u32 $0x10, v18;
	[tilespmem:s17+$0x700] =	vst v32;
	v40 =	vld.idx.msk [tilespmem:v8+s5+$0x0], $0xffff  }
0xec: {  	v10 =	vor.u32 $0x18, v18;
	v16 =	vor.u32 $0x1E, v18;
	v23 =	vor.u32 $0x1A, v18;
	[tilespmem:s14+$0xD80] =	vst v36;
	v29 =	vld.idx.msk [tilespmem:v34+s5+$0x0], $0xffff  }
0xed: {  	v21 =	vor.u32 $0x1B, v18;
	v17 =	vor.u32 $0x1D, v18;
	v4 =	vor.u32 $0xD, v26;
	v54 =	vld.idx.msk [tilespmem:v37+s5+$0x0], $0xffff;
	[tilespmem:s16+$0xB00] =	vst v3  }
0xee: {  	v19 =	vor.u32 $0x1C, v18;
	v32 =	vor.u32 $0x19, v0;
	v13 =	vor.u32 $0x1F, v18;
	v18 =	vld.idx.msk [tilespmem:v22+s5+$0x0], $0xffff;
	[tilespmem:s19+$0x280] =	vst v39  }
0xef: {  	v60 =	vor.u32 $0x6, v26;
	v55 =	vld.idx.msk [tilespmem:v24+s5+$0x0], $0xffff;
	[tilespmem:$0x1FFC0] =	vst v4  }
0xf0: {  	v4 =	vor.u32 $0xE, v26;
	[tilespmem:s15+$0xC00] =	vst v20  }
0xf1: {  	v56 =	vld.idx.msk [tilespmem:v42+s5+$0x0], $0xffff;
	[tilespmem:$0x1FFD0] =	vst v4  }
0xf2: {  	v52 =	vor.u32 $0x7, v26;
	v50 =	vor.u32 $0x8, v26;
	v3 =	vor.u32 $0x10, v1;
	[tilespmem:s20+$0x280] =	vst v40  }
0xf3: {  	v48 =	vor.u32 $0x9, v26;
	v47 =	vor.u32 $0xA, v26;
	v4 =	vor.u32 $0x13, v26;
	v58 =	vld.idx.msk [tilespmem:v32+s5+$0x0], $0xffff;
	[tilespmem:s18+$0x700] =	vst v29  }
0xf4: {  	v46 =	vor.u32 $0xB, v26;
	v45 =	vor.u32 $0xC, v26;
	v60 =	vld.idx.msk [tilespmem:v60+s5+$0x0], $0xffff;
	[tilespmem:$0x1FFE0] =	vst v4;
	v4 =	vor.u32 $0x14, v26  }
0xf5: {  	v44 =	vor.u32 $0xF, v26;
	v51 =	vor.u32 $0x10, v26;
	v59 =	vor.u32 $0x7, v2;
	[tilespmem:$0x1FFF0] =	vst v4  }
0xf6: {  	v49 =	vor.u32 $0x11, v26;
	v43 =	vor.u32 $0x1C, v26;
	v11 =	vor.u32 $0x18, v26;
	v57 =	vld.idx.msk [tilespmem:v41+s5+$0x0], $0xffff;
	[tilespmem:s17+$0x780] =	vst v54  }
0xf7: {  	v36 =	vor.u32 $0x15, v26;
	v34 =	vor.u32 $0x1A, v26;
	v37 =	vor.u32 $0x1E, v26;
	[tilespmem:s14+$0xE00] =	vst v18;
	v3 =	vld.idx.msk [tilespmem:v3+s5+$0x0], $0xffff  }
0xf8: {  	v22 =	vor.u32 $0x1F, v26;
	v24 =	vor.u32 $0x1B, v26;
	v39 =	vor.u32 $0x19, v26;
	[tilespmem:s16+$0xB80] =	vst v55;
	v54 =	vld.idx.msk [tilespmem:v38+s5+$0x0], $0xffff  }
0xf9: {  	v40 =	vor.u32 $0x12, v26;
	v32 =	vor.u32 $0x16, v26;
	v29 =	vor.u32 $0x17, v26;
	[tilespmem:s19+$0x300] =	vst v56;
	v53 =	vld.idx.msk [tilespmem:v53+s5+$0x0], $0xffff  }
0xfa: {  	s22 =	simm.s32 $0x6;
	v18 =	vor.u32 $0x1D, v26;
	v55 =	vor.u32 $0x1A, v0;
	v56 =	vld.idx.msk [tilespmem:v59+s5+$0x0], $0xffff;
	[tilespmem:s15+$0xC80] =	vst v58;
	v58 =	vor.u32 $0x11, v1  }
.LBB2_3:
0xfb: {  	[tilespmem:$0x1FEA0] =	vst v34  }
0xfc: {  	[tilespmem:$0x1FF30] =	vst v15  }
0xfd: {  	[tilespmem:$0x1FF60] =	vst v10  }
0xfe: {  	[tilespmem:$0x1FEE0] =	vst v27  }
0xff: {  	[tilespmem:s20+$0x300] =	vst v60  }
0x100: {  	v4 =	vmov v16;
	v52 =	vld.idx.msk [tilespmem:v52+s5+$0x0], $0xffff;
	[tilespmem:s18+$0x780] =	vst v57  }
0x101: {  	s22 =	sadd.s32 $0x2, s22;
	[tilespmem:$0x1FEB0] =	vst v4  }
0x102: {  	v55 =	vld.idx.msk [tilespmem:v55+s5+$0x0], $0xffff;
	s21 =	sadd.s32 $0x20, s21;
	s24 =	sshll.u32 s22, $0x4;
	[tilespmem:s17+$0x800] =	vst v3  }
0x103: {  	s23 =	sand.u32 $0x60, s21;
	s24 =	sand.u32 $0x3FFFFF80, s24;
	v57 =	vld.idx.msk [tilespmem:v7+s5+$0x0], $0xffff;
	[tilespmem:s14+$0xE80] =	vst v54  }
0x104: {  	v59 =	vor.u32 $0x8, v2;
	s28 =	sor.u32 $0x10, s23;
	s25 =	sadd.s32 $0x400, s24;
	[tilespmem:s16+$0xC00] =	vst v53;
	v5 =	vmov v14  }
0x105: {  	v41 =	vld.idx.msk [tilespmem:v58+s5+$0x0], $0xffff;
	s26 =	sor.u32 s23, s25;
	s25 =	sor.u32 s28, s25;
	[tilespmem:$0x1FF40] =	vst v5  }
0x106: {  	v7 =	vmov v49;
	v38 =	vld [tilespmem:s25+$0x0];
	[tilespmem:s19+$0x380] =	vst v56  }
0x107: {  	v3 =	vor.u32 $0x1B, v0;
	v8 =	vmov v12;
	[tilespmem:$0x1FF00] =	vst v7  }
0x108: {  	v53 =	vld.idx.msk [tilespmem:v28+s5+$0x0], $0xffff;
	[tilespmem:$0x1FED0] =	vst v8  }
0x109: {  	v42 =	vor.u32 $0x12, v1;
	v56 =	vld.idx.msk [tilespmem:v59+s5+$0x0], $0xffff;
	[tilespmem:s15+$0xD00] =	vst v55  }
0x10a: {  	[tilespmem:s20+$0x380] =	vst v52;
	v5 =	vmov v39  }
0x10b: {  	v52 =	vld [tilespmem:s26+$0x0];
	[tilespmem:$0x1FEF0] =	vst v5  }
0x10c: {  	v60 =	vor.u32 $0x9, v2;
	v3 =	vld.idx.msk [tilespmem:v3+s5+$0x0], $0xffff;
	[tilespmem:s18+$0x800] =	vst v57  }
0x10d: {  	[tilespmem:s17+$0x880] =	vst v41;
	v50 =	vld.idx.msk [tilespmem:v50+s5+$0x0], $0xffff  }
0x10e: {  	v6 =	vmov v51;
	v51 =	vor.u32 $0x1C, v0;
	v7 =	vmov v13;
	v54 =	vld.idx.msk [tilespmem:v42+s5+$0x0], $0xffff;
	[tilespmem:s14+$0xF00] =	vst v53  }
0x10f: {  	[tilespmem:$0x1FEC0] =	vst v7;
	v4 =	vshll.u32 v38, $0x5;
	v38 =	vld.idx.msk [tilespmem:v63+s5+$0x0], $0xffff  }
0x110: {  	[tilespmem:s19+$0x400] =	vst v56;
	v56 =	vld.idx.msk [tilespmem:v33+s5+$0x0], $0xffff;
	v5 =	vshll.u32 v52, $0x5  }
0x111: {  	v41 =	vld.idx.msk [tilespmem:v60+s5+$0x0], $0xffff;
	[tilespmem:s15+$0xD80] =	vst v3;
	v7 =	vor.u32 $0x6, v5  }
0x112: {  	v34 =	vmov v31;
	v31 =	vmov v37;
	v37 =	vor.u32 $0x13, v1;
	v20 =	vld [tilespmem:$0x1FF80];
	[tilespmem:$0x1FF10] =	vst v7  }
0x113: {  	v60 =	vor.u32 $0xA, v2;
	v3 =	vld.idx.msk [tilespmem:v51+s5+$0x0], $0xffff;
	[tilespmem:s20+$0x400] =	vst v50  }
0x114: {  	v8 =	vor.u32 $0x1D, v0;
	v7 =	vld.idx.msk [tilespmem:v4+s5+$0x0], $0xffff;
	[tilespmem:s17+$0x900] =	vst v54  }
0x115: {  	s29 =	sshll.u32 s22, $0x9;
	v42 =	vld.idx.msk [tilespmem:v25+s5+$0x0], $0xffff;
	[tilespmem:s18+$0x880] =	vst v38  }
0x116: {  	s25 =	sand.u32 $0x3FFFF000, s29;
	v13 =	vor.u32 $0x1, v4;
	v10 =	vld.idx.msk [tilespmem:v5+s5+$0x0], $0xffff;
	[tilespmem:s16+$0xC80] =	vst v56  }
0x117: {  	s25 =	sor.u32 $0x800, s25;
	v26 =	vor.u32 $0x9, v5;
	v38 =	vld.idx.msk [tilespmem:v37+s5+$0x0], $0xffff;
	[tilespmem:s19+$0x480] =	vst v41  }
0x118: {  	v15 =	vor.u32 $0x14, v1;
	s31 =	sor.u32 s28, s25;
	v16 =	vld.idx.msk [tilespmem:v60+s5+$0x0], $0xffff;
	[tilespmem:s15+$0xE00] =	vst v3  }
0x119: {  	v8 =	vld.idx.msk [tilespmem:v8+s5+$0x0], $0xffff;
	[tilespmem:s31+$0x0] =	vst v7;
	v7 =	vor.u32 $0xB, v2  }
0x11a: {  	[tilespmem:$0x1FF20] =	vst v6;
	v6 =	vmovc v35;
	v14 =	vld.idx.msk [tilespmem:v48+s5+$0x0], $0xffff;
	v48 =	vmov v26;
	v26 =	vmov v21;
	v21 =	vor.u32 $0x1E, v0  }
0x11b: {  	[tilespmem:$0x1FF50] =	vst v6;
	v13 =	vld.idx.msk [tilespmem:v13+s5+$0x0], $0xffff  }
0x11c: {  	v59 =	vor.u32 $0x1, v5;
	[tilespmem:s17+$0x980] =	vst v38  }
0x11d: {  	v27 =	vmovc v62;
	v6 =	vor.u32 $0x2, v5;
	v62 =	vor.u32 $0x3, v5;
	v58 =	vor.u32 $0x4, v5;
	v15 =	vld.idx.msk [tilespmem:v15+s5+$0x0], $0xffff;
	[tilespmem:s19+$0x500] =	vst v16  }
0x11e: {  	v55 =	vor.u32 $0x5, v5;
	v52 =	vor.u32 $0x7, v5;
	v9 =	vor.u32 $0xA, v5;
	v7 =	vld.idx.msk [tilespmem:v7+s5+$0x0], $0xffff;
	[tilespmem:s15+$0xE80] =	vst v8  }
0x11f: {  	[tilespmem:$0x1FF70] =	vst v11;
	v28 =	vmovc v29;
	v29 =	vmovc v61;
	v11 =	vor.u32 $0xB, v5;
	v12 =	vor.u32 $0xC, v5;
	v61 =	vor.u32 $0xD, v5;
	v8 =	vld.idx.msk [tilespmem:v21+s5+$0x0], $0xffff  }
0x120: {  	v33 =	vmovc v17;
	v57 =	vor.u32 $0xE, v5;
	v49 =	vor.u32 $0x11, v5;
	v17 =	vor.u32 $0x13, v5;
	[tilespmem:s31+$0x80] =	vst v13;
	v13 =	vld [tilespmem:$0x1FF90]  }
0x121: {  	v35 =	vmovc v19;
	v53 =	vmovc v18;
	v18 =	vor.u32 $0x14, v5;
	v19 =	vor.u32 $0x15, v5;
	v39 =	vor.u32 $0x19, v5;
	[tilespmem:s14+$0xF80] =	vst v42  }
0x122: {  	s30 =	sor.u32 s23, s25;
	v63 =	vor.u32 $0x1C, v5;
	v25 =	vmovc v32;
	v32 =	vmovc v30;
	v30 =	vmov v22;
	v22 =	vmov v40;
	s14 =	smov.u32 s16;
	v20 =	vld.idx.msk [tilespmem:v20+s5+$0x0], $0xffff  }
0x123: {  	v51 =	vor.u32 $0x10, v5;
	v50 =	vor.u32 $0x8, v5;
	v54 =	vor.u32 $0xF, v5;
	[tilespmem:$0x1FF80] =	vst v22;
	s16 =	smov.u32 s18;
	s18 =	smov.u32 s20;
	s20 =	smov.u32 s30  }
0x124: {  	v37 =	vor.u32 $0x1E, v5;
	v56 =	vor.u32 $0x18, v5;
	v41 =	vor.u32 $0x1B, v5;
	[tilespmem:s20+$0x0] =	vst v10  }
0x125: {  	v40 =	vmovc v36;
	v36 =	vmovc v23;
	v22 =	vor.u32 $0x1F, v5;
	v60 =	vor.u32 $0x12, v5;
	v3 =	vor.u32 $0x16, v5;
	v23 =	vld.idx.msk [tilespmem:v59+s5+$0x0], $0xffff;
	[tilespmem:s18+$0x480] =	vst v14  }
0x126: {  	v42 =	vmovc v60;
	v60 =	vor.u32 $0x17, v5;
	v10 =	vor.u32 $0x1A, v5;
	v59 =	vor.u32 $0x1D, v5;
	v5 =	vld.idx.msk [tilespmem:v47+s5+$0x0], $0xffff  }
0x127: {  	[tilespmem:s16+$0x900] =	vst v20  }
0x128: {  	v13 =	vld.idx.msk [tilespmem:v13+s5+$0x0], $0xffff;
	_ =	sdelay $0x1  }
0x129: {  	[tilespmem:s20+$0x80] =	vst v23  }
0x12a: {  	v6 =	vld.idx.msk [tilespmem:v6+s5+$0x0], $0xffff;
	[tilespmem:s18+$0x500] =	vst v5  }
0x12b: {  	v5 =	vld.idx.msk [tilespmem:v46+s5+$0x0], $0xffff  }
0x12c: {  	[tilespmem:s16+$0x980] =	vst v13;
	v13 =	vld [tilespmem:$0x1FFA0];
	_ =	sdelay $0x7  }
0x12d: {  	v38 =	vmov v24;
	v24 =	vor.u32 $0x2, v4;
	v13 =	vld.idx.msk [tilespmem:v13+s5+$0x0], $0xffff;
	[tilespmem:s20+$0x100] =	vst v6  }
0x12e: {  	v14 =	vor.u32 $0x15, v1;
	v6 =	vld.idx.msk [tilespmem:v62+s5+$0x0], $0xffff;
	[tilespmem:s18+$0x580] =	vst v5  }
0x12f: {  	v47 =	vmov v9;
	v9 =	vor.u32 $0xC, v2;
	v5 =	vld.idx.msk [tilespmem:v45+s5+$0x0], $0xffff  }
0x130: {  	v16 =	vmov v17;
	v45 =	vmov v12;
	v12 =	vld [tilespmem:$0x1FEA0]  }
0x131: {  	v20 =	vld [tilespmem:$0x1FFE0];
	[tilespmem:$0x1FFE0] =	vst v16  }
0x132: {  	v16 =	vld.idx.msk [tilespmem:v24+s5+$0x0], $0xffff;
	[tilespmem:s17+$0xA00] =	vst v15;
	v15 =	vor.u32 $0x1F, v0  }
0x133: {  	v0 =	vmov v1;
	v1 =	vmov v2;
	v2 =	vmov v4;
	v4 =	vld.idx.msk [tilespmem:v14+s5+$0x0], $0xffff;
	[tilespmem:s19+$0x580] =	vst v7  }
0x134: {  	v14 =	vor.u32 $0x3, v2;
	v9 =	vld.idx.msk [tilespmem:v9+s5+$0x0], $0xffff  }
0x135: {  	v7 =	vor.u32 $0x16, v0;
	v23 =	vmov v12;
	v12 =	vld [tilespmem:$0x1FFB0]  }
0x136: {  	[tilespmem:s15+$0xF00] =	vst v8;
	v46 =	vmov v11;
	v11 =	vor.u32 $0xD, v1  }
0x137: {  	v8 =	vld.idx.msk [tilespmem:v15+s5+$0x0], $0xffff  }
0x138: {  	[tilespmem:s31+$0x100] =	vst v16  }
0x139: {  	v14 =	vld.idx.msk [tilespmem:v14+s5+$0x0], $0xffff;
	[tilespmem:s17+$0xA80] =	vst v4  }
0x13a: {  	v4 =	vld.idx.msk [tilespmem:v7+s5+$0x0], $0xffff;
	[tilespmem:s19+$0x600] =	vst v9  }
0x13b: {  	v11 =	vld.idx.msk [tilespmem:v11+s5+$0x0], $0xffff;
	[tilespmem:s16+$0xA00] =	vst v13  }
0x13c: {  	[tilespmem:s15+$0xF80] =	vst v8;
	v8 =	vld.idx.msk [tilespmem:v34+s5+$0x0], $0xffff  }
0x13d: {  	v12 =	vld.idx.msk [tilespmem:v12+s5+$0x0], $0xffff;
	[tilespmem:s20+$0x180] =	vst v6  }
0x13e: {  	v6 =	vld.idx.msk [tilespmem:v58+s5+$0x0], $0xffff  }
0x13f: {  	[tilespmem:s18+$0x600] =	vst v5;
	v5 =	vld [tilespmem:$0x1FFC0];
	_ =	sdelay $0x7  }
0x140: {  	v5 =	vld.idx.msk [tilespmem:v5+s5+$0x0], $0xffff;
	[tilespmem:s14+$0xD00] =	vst v8  }
0x141: {  	[tilespmem:s16+$0xA80] =	vst v12  }
0x142: {  	v8 =	vld.idx.msk [tilespmem:v32+s5+$0x0], $0xffff  }
0x143: {  	v12 =	vld.idx.msk [tilespmem:v27+s5+$0x0], $0xffff;
	[tilespmem:s20+$0x200] =	vst v6  }
0x144: {  	v6 =	vld.idx.msk [tilespmem:v55+s5+$0x0], $0xffff  }
0x145: {  	[tilespmem:s18+$0x680] =	vst v5;
	v5 =	vld [tilespmem:$0x1FFD0]  }
0x146: {  	v7 =	vor.u32 $0x4, v2  }
0x147: {  	v9 =	vor.u32 $0x17, v0;
	_ =	sdelay $0x1  }
0x148: {  	s15 =	smov.u32 s17;
	s17 =	smov.u32 s19;
	s19 =	smov.u32 s31  }
0x149: {  	[tilespmem:s19+$0x180] =	vst v14  }
0x14a: {  	v7 =	vld.idx.msk [tilespmem:v7+s5+$0x0], $0xffff;
	[tilespmem:s15+$0xB00] =	vst v4  }
0x14b: {  	v4 =	vld.idx.msk [tilespmem:v9+s5+$0x0], $0xffff  }
0x14c: {  	v34 =	vmov v10;
	v10 =	vor.u32 $0xE, v1;
	v5 =	vld.idx.msk [tilespmem:v5+s5+$0x0], $0xffff  }
0x14d: {  	v9 =	vor.u32 $0x5, v2;
	[tilespmem:s14+$0xD80] =	vst v8;
	v8 =	vld [tilespmem:$0x1FEE0]  }
0x14e: {  	[tilespmem:s17+$0x680] =	vst v11;
	v11 =	vor.u32 $0x18, v0;
	_ =	sdelay $0x2  }
0x14f: {  	v10 =	vld.idx.msk [tilespmem:v10+s5+$0x0], $0xffff;
	[tilespmem:s19+$0x200] =	vst v7  }
0x150: {  	v32 =	vmov v3;
	v3 =	vld.idx.msk [tilespmem:v9+s5+$0x0], $0xffff;
	[tilespmem:s15+$0xB80] =	vst v4  }
0x151: {  	v4 =	vld.idx.msk [tilespmem:v11+s5+$0x0], $0xffff;
	v11 =	vmov v57;
	[tilespmem:s16+$0xB00] =	vst v12  }
0x152: {  	[tilespmem:$0x1FFD0] =	vst v11;
	v11 =	vld.idx.msk [tilespmem:v29+s5+$0x0], $0xffff  }
0x153: {  	v8 =	vld.idx.msk [tilespmem:v8+s5+$0x0], $0xffff  }
0x154: {  	[tilespmem:s20+$0x280] =	vst v6;
	v6 =	vld [tilespmem:$0x1FF10];
	_ =	sdelay $0x4  }
0x155: {  	v17 =	vld [tilespmem:$0x1FFF0];
	_ =	sdelay $0x2  }
0x156: {  	v29 =	vmov v60;
	v60 =	vld.idx.msk [tilespmem:v6+s5+$0x0], $0xffff  }
0x157: {  	[tilespmem:s18+$0x700] =	vst v5;
	v5 =	vld [tilespmem:$0x1FF30]  }
0x158: {  	v15 =	vmov v17;
	_ =	sdelay $0x2  }
0x159: {  	[tilespmem:$0x1FFA0] =	vst v15;
	v15 =	vmov v18  }
0x15a: {  	[tilespmem:$0x1FFF0] =	vst v15  }
0x15b: {  	v16 =	vmov v31;
	v57 =	vld.idx.msk [tilespmem:v44+s5+$0x0], $0xffff;
	[tilespmem:s14+$0xE00] =	vst v8  }
0x15c: {  	v31 =	vmovc v36;
	v36 =	vmovc v19;
	v19 =	vmov v43;
	v43 =	vmov v63;
	v63 =	vld [tilespmem:$0x1FF00];
	v15 =	vmov v40;
	[tilespmem:s16+$0xB80] =	vst v11  }
0x15d: {  	v44 =	vmov v54;
	v54 =	vld.idx.msk [tilespmem:v5+s5+$0x0], $0xffff  }
0x15e: {  	v7 =	vor.u32 $0xF, v1;
	v5 =	vld [tilespmem:$0x1FF60]  }
0x15f: {  	v14 =	vld [tilespmem:$0x1FEB0];
	[tilespmem:$0x1FFB0] =	vst v15;
	v15 =	vmov v61;
	v9 =	vor.u32 $0x6, v2  }
0x160: {  	v62 =	vmov v25;
	v25 =	vld [tilespmem:$0x1FED0];
	[tilespmem:s17+$0x700] =	vst v10;
	v10 =	vor.u32 $0x19, v0  }
0x161: {  	v61 =	vmov v28;
	v28 =	vld [tilespmem:$0x1FF40]  }
0x162: {  	[tilespmem:$0x1FFC0] =	vst v15;
	v15 =	vmov v33;
	v33 =	vld [tilespmem:$0x1FF50]  }
0x163: {  	v7 =	vld.idx.msk [tilespmem:v7+s5+$0x0], $0xffff;
	[tilespmem:s19+$0x280] =	vst v3  }
0x164: {  	v9 =	vld.idx.msk [tilespmem:v9+s5+$0x0], $0xffff;
	[tilespmem:s15+$0xC00] =	vst v4  }
0x165: {  	v3 =	vor.u32 $0x10, v1;
	v4 =	vld.idx.msk [tilespmem:v10+s5+$0x0], $0xffff  }
0x166: {  	v17 =	vmov v53;
	v53 =	vld.idx.msk [tilespmem:v5+s5+$0x0], $0xffff  }
0x167: {  	p0 =	slt.u32 s22, $0x3E;
	v6 =	vor.u32 $0x7, v2;
	v5 =	vld [tilespmem:$0x1FF70]  }
.Ltmp0:
0x168: {  	v27 =	vmov v35;
	v35 =	vld [tilespmem:$0x1FEF0];
	(pc) =	sbr.rel @p0 .LBB2_3-.Ltmp0, $4  }
0x169: {  	v20 =	vmov v20;
	[tilespmem:s17+$0x780] =	vst v7;
	v7 =	vld [tilespmem:$0x1FF20]  }
0x16a: {  	[tilespmem:$0x1FF90] =	vst v20;
	v3 =	vld.idx.msk [tilespmem:v3+s5+$0x0], $0xffff  }
0x16b: {  	v21 =	vmovc v38;
	v24 =	vmovc v41;
	v18 =	vmov v59;
	v40 =	vmov v42;
	v13 =	vmov v30;
	[tilespmem:s19+$0x300] =	vst v9;
	v12 =	vld [tilespmem:$0x1FEC0]  }
0x16c: {  	v30 =	vmovc v26;
	v58 =	vor.u32 $0x11, v1;
	v55 =	vor.u32 $0x1A, v0;
	v11 =	vmovc v56;
	v56 =	vld.idx.msk [tilespmem:v6+s5+$0x0], $0xffff;
	[tilespmem:s15+$0xC80] =	vst v4;
	v10 =	vmov v5  }
0x16d: {  	_ =	sdelay $0x2  }
0x16e: {  	[tilespmem:s20+$0x300] =	vst v60  }
0x16f: {  	v5 =	vor.u32 $0x8, v2;
	v4 =	vld.idx.msk [tilespmem:v52+s5+$0x0], $0xffff;
	_ =	sdelay $0x3  }
0x170: {  	[tilespmem:s19+$0x380] =	vst v56  }
0x171: {  	v5 =	vld.idx.msk [tilespmem:v5+s5+$0x0], $0xffff;
	[tilespmem:s20+$0x380] =	vst v4  }
0x172: {  	v59 =	vor.u32 $0x9, v2;
	v6 =	vld.idx.msk [tilespmem:v50+s5+$0x0], $0xffff;
	_ =	sdelay $0x3  }
0x173: {  	[tilespmem:s19+$0x400] =	vst v5  }
0x174: {  	v4 =	vld.idx.msk [tilespmem:v59+s5+$0x0], $0xffff;
	[tilespmem:s20+$0x400] =	vst v6  }
0x175: {  	v60 =	vor.u32 $0xA, v2;
	v6 =	vld.idx.msk [tilespmem:v48+s5+$0x0], $0xffff;
	_ =	sdelay $0x3  }
0x176: {  	[tilespmem:s19+$0x480] =	vst v4  }
0x177: {  	v4 =	vld.idx.msk [tilespmem:v60+s5+$0x0], $0xffff;
	[tilespmem:s20+$0x480] =	vst v6  }
0x178: {  	v9 =	vor.u32 $0xB, v2;
	v6 =	vld.idx.msk [tilespmem:v47+s5+$0x0], $0xffff;
	_ =	sdelay $0x3  }
0x179: {  	[tilespmem:s19+$0x500] =	vst v4  }
0x17a: {  	v4 =	vld.idx.msk [tilespmem:v9+s5+$0x0], $0xffff;
	[tilespmem:s20+$0x500] =	vst v6  }
0x17b: {  	v20 =	vor.u32 $0xC, v2;
	v6 =	vld.idx.msk [tilespmem:v46+s5+$0x0], $0xffff;
	_ =	sdelay $0x3  }
0x17c: {  	[tilespmem:s19+$0x580] =	vst v4  }
0x17d: {  	v4 =	vld.idx.msk [tilespmem:v20+s5+$0x0], $0xffff;
	[tilespmem:s20+$0x580] =	vst v6  }
0x17e: {  	v6 =	vld.idx.msk [tilespmem:v45+s5+$0x0], $0xffff;
	_ =	sdelay $0x3  }
0x17f: {  	[tilespmem:s19+$0x600] =	vst v4  }
0x180: {  	[tilespmem:s20+$0x600] =	vst v6  }
0x181: {  	v6 =	vld [tilespmem:$0x1FFC0];
	_ =	sdelay $0x1  }
0x182: {  	v26 =	vor.u32 $0xD, v2;
	_ =	sdelay $0x4  }
0x183: {  	v4 =	vld.idx.msk [tilespmem:v26+s5+$0x0], $0xffff  }
0x184: {  	v6 =	vld.idx.msk [tilespmem:v6+s5+$0x0], $0xffff;
	_ =	sdelay $0x3  }
0x185: {  	[tilespmem:s19+$0x680] =	vst v4  }
0x186: {  	[tilespmem:s20+$0x680] =	vst v6  }
0x187: {  	v6 =	vld [tilespmem:$0x1FFD0]  }
0x188: {  	v38 =	vor.u32 $0xE, v2;
	_ =	sdelay $0x4  }
0x189: {  	v4 =	vld.idx.msk [tilespmem:v38+s5+$0x0], $0xffff  }
0x18a: {  	v41 =	vor.u32 $0xF, v2  }
0x18b: {  	v6 =	vld.idx.msk [tilespmem:v6+s5+$0x0], $0xffff;
	_ =	sdelay $0x2  }
0x18c: {  	[tilespmem:s19+$0x700] =	vst v4  }
0x18d: {  	[tilespmem:s18+$0x780] =	vst v57;
	v4 =	vld.idx.msk [tilespmem:v41+s5+$0x0], $0xffff  }
0x18e: {  	v42 =	vor.u32 $0x10, v2;
	v7 =	vld.idx.msk [tilespmem:v7+s5+$0x0], $0xffff;
	[tilespmem:s20+$0x700] =	vst v6  }
0x18f: {  	v6 =	vld.idx.msk [tilespmem:v44+s5+$0x0], $0xffff;
	_ =	sdelay $0x1  }
0x190: {  	[tilespmem:s17+$0x800] =	vst v3  }
0x191: {  	v3 =	vld.idx.msk [tilespmem:v58+s5+$0x0], $0xffff;
	[tilespmem:s19+$0x780] =	vst v4  }
0x192: {  	[tilespmem:s18+$0x800] =	vst v7;
	v4 =	vld.idx.msk [tilespmem:v42+s5+$0x0], $0xffff  }
0x193: {  	v8 =	vld.idx.msk [tilespmem:v63+s5+$0x0], $0xffff;
	[tilespmem:s20+$0x780] =	vst v6  }
0x194: {  	v6 =	vld.idx.msk [tilespmem:v51+s5+$0x0], $0xffff;
	_ =	sdelay $0x1  }
0x195: {  	[tilespmem:s17+$0x880] =	vst v3  }
0x196: {  	[tilespmem:s19+$0x800] =	vst v4  }
0x197: {  	[tilespmem:s18+$0x880] =	vst v8  }
0x198: {  	[tilespmem:s20+$0x800] =	vst v6  }
0x199: {  	v45 =	vor.u32 $0x11, v2;
	v8 =	vld [tilespmem:$0x1FF80]  }
0x19a: {  	v46 =	vor.u32 $0x12, v1;
	_ =	sdelay $0x3  }
0x19b: {  	v4 =	vld.idx.msk [tilespmem:v45+s5+$0x0], $0xffff  }
0x19c: {  	v3 =	vld.idx.msk [tilespmem:v46+s5+$0x0], $0xffff  }
0x19d: {  	v6 =	vld.idx.msk [tilespmem:v49+s5+$0x0], $0xffff  }
0x19e: {  	v47 =	vor.u32 $0x12, v2;
	v8 =	vld.idx.msk [tilespmem:v8+s5+$0x0], $0xffff;
	_ =	sdelay $0x1  }
0x19f: {  	[tilespmem:s19+$0x880] =	vst v4  }
0x1a0: {  	[tilespmem:s17+$0x900] =	vst v3  }
0x1a1: {  	[tilespmem:s20+$0x880] =	vst v6  }
0x1a2: {  	v4 =	vld.idx.msk [tilespmem:v47+s5+$0x0], $0xffff;
	[tilespmem:s18+$0x900] =	vst v8  }
0x1a3: {  	v8 =	vld [tilespmem:$0x1FF90]  }
0x1a4: {  	v48 =	vor.u32 $0x13, v1;
	v6 =	vld.idx.msk [tilespmem:v40+s5+$0x0], $0xffff;
	_ =	sdelay $0x3  }
0x1a5: {  	[tilespmem:s19+$0x900] =	vst v4  }
0x1a6: {  	v3 =	vld.idx.msk [tilespmem:v48+s5+$0x0], $0xffff;
	[tilespmem:s20+$0x900] =	vst v6  }
0x1a7: {  	v6 =	vld [tilespmem:$0x1FFE0]  }
0x1a8: {  	v49 =	vor.u32 $0x13, v2;
	v8 =	vld.idx.msk [tilespmem:v8+s5+$0x0], $0xffff;
	_ =	sdelay $0x3  }
0x1a9: {  	[tilespmem:s17+$0x980] =	vst v3  }
0x1aa: {  	v4 =	vld.idx.msk [tilespmem:v49+s5+$0x0], $0xffff;
	[tilespmem:s18+$0x980] =	vst v8  }
0x1ab: {  	v8 =	vld [tilespmem:$0x1FFA0]  }
0x1ac: {  	v50 =	vor.u32 $0x14, v1;
	v6 =	vld.idx.msk [tilespmem:v6+s5+$0x0], $0xffff;
	_ =	sdelay $0x3  }
0x1ad: {  	[tilespmem:s19+$0x980] =	vst v4  }
0x1ae: {  	v3 =	vld.idx.msk [tilespmem:v50+s5+$0x0], $0xffff;
	[tilespmem:s20+$0x980] =	vst v6  }
0x1af: {  	v6 =	vld [tilespmem:$0x1FFF0]  }
0x1b0: {  	v51 =	vor.u32 $0x14, v2;
	v8 =	vld.idx.msk [tilespmem:v8+s5+$0x0], $0xffff;
	_ =	sdelay $0x3  }
0x1b1: {  	[tilespmem:s17+$0xA00] =	vst v3  }
0x1b2: {  	v4 =	vld.idx.msk [tilespmem:v51+s5+$0x0], $0xffff;
	[tilespmem:s18+$0xA00] =	vst v8  }
0x1b3: {  	v52 =	vor.u32 $0x15, v1;
	v8 =	vld [tilespmem:$0x1FFB0]  }
0x1b4: {  	v56 =	vor.u32 $0x15, v2;
	v6 =	vld.idx.msk [tilespmem:v6+s5+$0x0], $0xffff;
	_ =	sdelay $0x3  }
0x1b5: {  	v3 =	vld.idx.msk [tilespmem:v52+s5+$0x0], $0xffff;
	[tilespmem:s19+$0xA00] =	vst v4  }
0x1b6: {  	v57 =	vor.u32 $0x16, v1;
	[tilespmem:s20+$0xA00] =	vst v6;
	v4 =	vld.idx.msk [tilespmem:v56+s5+$0x0], $0xffff  }
0x1b7: {  	v58 =	vor.u32 $0x16, v2;
	v6 =	vld.idx.msk [tilespmem:v36+s5+$0x0], $0xffff  }
0x1b8: {  	v8 =	vld.idx.msk [tilespmem:v8+s5+$0x0], $0xffff;
	_ =	sdelay $0x1  }
0x1b9: {  	[tilespmem:s17+$0xA80] =	vst v3  }
0x1ba: {  	v3 =	vld.idx.msk [tilespmem:v57+s5+$0x0], $0xffff;
	[tilespmem:s19+$0xA80] =	vst v4  }
0x1bb: {  	v59 =	vor.u32 $0x17, v1;
	[tilespmem:s20+$0xA80] =	vst v6;
	v4 =	vld.idx.msk [tilespmem:v58+s5+$0x0], $0xffff  }
0x1bc: {  	v60 =	vor.u32 $0x17, v2;
	v6 =	vld.idx.msk [tilespmem:v32+s5+$0x0], $0xffff;
	[tilespmem:s18+$0xA80] =	vst v8  }
0x1bd: {  	v8 =	vld.idx.msk [tilespmem:v62+s5+$0x0], $0xffff;
	_ =	sdelay $0x1  }
0x1be: {  	[tilespmem:s17+$0xB00] =	vst v3  }
0x1bf: {  	v3 =	vld.idx.msk [tilespmem:v59+s5+$0x0], $0xffff;
	[tilespmem:s19+$0xB00] =	vst v4  }
0x1c0: {  	[tilespmem:s20+$0xB00] =	vst v6;
	v4 =	vld.idx.msk [tilespmem:v60+s5+$0x0], $0xffff;
	v62 =	vor.u32 $0x18, v1  }
0x1c1: {  	v63 =	vor.u32 $0x18, v2;
	v6 =	vld.idx.msk [tilespmem:v29+s5+$0x0], $0xffff;
	[tilespmem:s18+$0xB00] =	vst v8  }
0x1c2: {  	v8 =	vld.idx.msk [tilespmem:v61+s5+$0x0], $0xffff  }
0x1c3: {  	[tilespmem:s14+$0xE80] =	vst v54  }
0x1c4: {  	v9 =	vld.idx.msk [tilespmem:v55+s5+$0x0], $0xffff;
	[tilespmem:s17+$0xB80] =	vst v3  }
0x1c5: {  	v32 =	vor.u32 $0x1B, v0;
	[tilespmem:s19+$0xB80] =	vst v4;
	v3 =	vld.idx.msk [tilespmem:v62+s5+$0x0], $0xffff  }
0x1c6: {  	v20 =	vor.u32 $0x19, v1;
	[tilespmem:s20+$0xB80] =	vst v6;
	v4 =	vld.idx.msk [tilespmem:v63+s5+$0x0], $0xffff  }
0x1c7: {  	v26 =	vor.u32 $0x19, v2;
	v6 =	vld.idx.msk [tilespmem:v11+s5+$0x0], $0xffff;
	[tilespmem:s18+$0xB80] =	vst v8  }
0x1c8: {  	[tilespmem:s16+$0xC00] =	vst v53;
	v8 =	vld.idx.msk [tilespmem:v10+s5+$0x0], $0xffff  }
0x1c9: {  	[tilespmem:s15+$0xD00] =	vst v9;
	v33 =	vld.idx.msk [tilespmem:v33+s5+$0x0], $0xffff  }
0x1ca: {  	v9 =	vld.idx.msk [tilespmem:v32+s5+$0x0], $0xffff;
	[tilespmem:s17+$0xC00] =	vst v3  }
0x1cb: {  	[tilespmem:s19+$0xC00] =	vst v4;
	v3 =	vld.idx.msk [tilespmem:v20+s5+$0x0], $0xffff  }
0x1cc: {  	v36 =	vor.u32 $0x1A, v1;
	[tilespmem:s20+$0xC00] =	vst v6;
	v4 =	vld.idx.msk [tilespmem:v26+s5+$0x0], $0xffff  }
0x1cd: {  	v38 =	vor.u32 $0x1A, v2;
	v6 =	vld.idx.msk [tilespmem:v39+s5+$0x0], $0xffff;
	[tilespmem:s18+$0xC00] =	vst v8  }
0x1ce: {  	[tilespmem:s16+$0xC80] =	vst v33;
	v8 =	vld.idx.msk [tilespmem:v35+s5+$0x0], $0xffff  }
0x1cf: {  	v29 =	vld.idx.msk [tilespmem:v28+s5+$0x0], $0xffff;
	[tilespmem:s15+$0xD80] =	vst v9  }
0x1d0: {  	v40 =	vor.u32 $0x1C, v0;
	v11 =	vld.idx.msk [tilespmem:v31+s5+$0x0], $0xffff;
	[tilespmem:s17+$0xC80] =	vst v3  }
0x1d1: {  	[tilespmem:s19+$0xC80] =	vst v4;
	v3 =	vld.idx.msk [tilespmem:v36+s5+$0x0], $0xffff  }
0x1d2: {  	v41 =	vor.u32 $0x1B, v1;
	[tilespmem:s20+$0xC80] =	vst v6;
	v4 =	vld.idx.msk [tilespmem:v38+s5+$0x0], $0xffff  }
0x1d3: {  	v42 =	vor.u32 $0x1B, v2;
	v6 =	vld.idx.msk [tilespmem:v34+s5+$0x0], $0xffff;
	[tilespmem:s18+$0xC80] =	vst v8  }
0x1d4: {  	[tilespmem:s14+$0xF00] =	vst v29;
	v8 =	vld.idx.msk [tilespmem:v23+s5+$0x0], $0xffff  }
0x1d5: {  	v9 =	vld.idx.msk [tilespmem:v40+s5+$0x0], $0xffff;
	[tilespmem:s16+$0xD00] =	vst v11  }
0x1d6: {  	v44 =	vld.idx.msk [tilespmem:v30+s5+$0x0], $0xffff;
	[tilespmem:s17+$0xD00] =	vst v3  }
0x1d7: {  	[tilespmem:s19+$0xD00] =	vst v4;
	v3 =	vld.idx.msk [tilespmem:v41+s5+$0x0], $0xffff  }
0x1d8: {  	v45 =	vor.u32 $0x1C, v1;
	[tilespmem:s20+$0xD00] =	vst v6;
	v4 =	vld.idx.msk [tilespmem:v42+s5+$0x0], $0xffff  }
0x1d9: {  	v46 =	vor.u32 $0x1C, v2;
	v6 =	vld.idx.msk [tilespmem:v24+s5+$0x0], $0xffff;
	[tilespmem:s18+$0xD00] =	vst v8  }
0x1da: {  	[tilespmem:s15+$0xE00] =	vst v9;
	v8 =	vld.idx.msk [tilespmem:v21+s5+$0x0], $0xffff  }
0x1db: {  	v47 =	vld.idx.msk [tilespmem:v25+s5+$0x0], $0xffff;
	[tilespmem:s16+$0xD80] =	vst v44  }
0x1dc: {  	v48 =	vor.u32 $0x1D, v0;
	v11 =	vld.idx.msk [tilespmem:v27+s5+$0x0], $0xffff;
	[tilespmem:s17+$0xD80] =	vst v3  }
0x1dd: {  	[tilespmem:s19+$0xD80] =	vst v4;
	v3 =	vld.idx.msk [tilespmem:v45+s5+$0x0], $0xffff  }
0x1de: {  	v49 =	vor.u32 $0x1D, v1;
	[tilespmem:s20+$0xD80] =	vst v6;
	v4 =	vld.idx.msk [tilespmem:v46+s5+$0x0], $0xffff  }
0x1df: {  	v50 =	vor.u32 $0x1D, v2;
	v6 =	vld.idx.msk [tilespmem:v43+s5+$0x0], $0xffff;
	[tilespmem:s18+$0xD80] =	vst v8  }
0x1e0: {  	[tilespmem:s14+$0xF80] =	vst v47;
	v8 =	vld.idx.msk [tilespmem:v19+s5+$0x0], $0xffff  }
0x1e1: {  	v51 =	vld.idx.msk [tilespmem:v48+s5+$0x0], $0xffff;
	[tilespmem:s16+$0xE00] =	vst v11  }
0x1e2: {  	v52 =	vor.u32 $0x1E, v0;
	v11 =	vld.idx.msk [tilespmem:v15+s5+$0x0], $0xffff;
	[tilespmem:s17+$0xE00] =	vst v3  }
0x1e3: {  	[tilespmem:s19+$0xE00] =	vst v4;
	v3 =	vld.idx.msk [tilespmem:v49+s5+$0x0], $0xffff  }
0x1e4: {  	v53 =	vor.u32 $0x1E, v1;
	[tilespmem:s20+$0xE00] =	vst v6;
	v4 =	vld.idx.msk [tilespmem:v50+s5+$0x0], $0xffff  }
0x1e5: {  	v54 =	vor.u32 $0x1E, v2;
	v6 =	vld.idx.msk [tilespmem:v18+s5+$0x0], $0xffff;
	[tilespmem:s18+$0xE00] =	vst v8  }
0x1e6: {  	[tilespmem:s15+$0xE80] =	vst v51;
	v8 =	vld.idx.msk [tilespmem:v17+s5+$0x0], $0xffff  }
0x1e7: {  	v9 =	vld.idx.msk [tilespmem:v52+s5+$0x0], $0xffff;
	[tilespmem:s16+$0xE80] =	vst v11  }
0x1e8: {  	v55 =	vor.u32 $0x1F, v0;
	v56 =	vld.idx.msk [tilespmem:v14+s5+$0x0], $0xffff;
	[tilespmem:s17+$0xE80] =	vst v3  }
0x1e9: {  	[tilespmem:s19+$0xE80] =	vst v4;
	v3 =	vld.idx.msk [tilespmem:v53+s5+$0x0], $0xffff  }
0x1ea: {  	v57 =	vor.u32 $0x1F, v1;
	[tilespmem:s20+$0xE80] =	vst v6;
	v4 =	vld.idx.msk [tilespmem:v54+s5+$0x0], $0xffff  }
0x1eb: {  	v59 =	vor.u32 $0x1F, v2;
	v60 =	vld.idx.msk [tilespmem:v37+s5+$0x0], $0xffff;
	[tilespmem:s18+$0xE80] =	vst v8  }
0x1ec: {  	[tilespmem:s15+$0xF00] =	vst v9;
	v58 =	vld.idx.msk [tilespmem:v16+s5+$0x0], $0xffff  }
0x1ed: {  	v0 =	vld.idx.msk [tilespmem:v55+s5+$0x0], $0xffff;
	[tilespmem:s16+$0xF00] =	vst v56  }
0x1ee: {  	v61 =	vld.idx.msk [tilespmem:v12+s5+$0x0], $0xffff;
	[tilespmem:s17+$0xF00] =	vst v3  }
0x1ef: {  	[tilespmem:s19+$0xF00] =	vst v4;
	v1 =	vld.idx.msk [tilespmem:v57+s5+$0x0], $0xffff  }
0x1f0: {  	[tilespmem:s20+$0xF00] =	vst v60;
	v2 =	vld.idx.msk [tilespmem:v59+s5+$0x0], $0xffff  }
0x1f1: {  	v63 =	vld.idx.msk [tilespmem:v22+s5+$0x0], $0xffff;
	[tilespmem:s18+$0xF00] =	vst v58  }
0x1f2: {  	[tilespmem:s15+$0xF80] =	vst v0;
	v62 =	vld.idx.msk [tilespmem:v13+s5+$0x0], $0xffff  }
0x1f3: {  	[tilespmem:s16+$0xF80] =	vst v61  }
0x1f4: {  	s31 =	sshll.u32 s13, $0x14;
	[tilespmem:s17+$0xF80] =	vst v1  }
0x1f5: {  	s13 =	sadd.s32 $0x1, s13;
	s14 =	sor.u32 s6, s31;
	[tilespmem:s19+$0xF80] =	vst v2  }
0x1f6: {  	p0 =	sne.s32 s13, $0x19;
	s14 =	sshrl.u32 s14, $0x3;
	[tilespmem:s20+$0xF80] =	vst v63  }
.Ltmp1:
0x1f7: {  	s14 =	sadd.s32 s3, s14;
	[tilespmem:s18+$0xF80] =	vst v62;
	(pc) =	sbr.rel @p0 .LBB2_2-.Ltmp1, $4  }
0x1f8: {  	[hbm4b:s14+s9] =	stream.strided.scatter [tilespmem:s11], [sflag:$0x1], $0x8000, s10, s9, $0x38;
	[tilespmem:$0x8800] =	vst v63  }
0x1f9: {  	_ =	swait.ge [sflag:s8], $0x8000  }
0x1fa: {  	[sflag:s8] =	ssyncset.done $0x0  }
0x1fb: {  	[sflag:s8] =	ssyncadd.s32 $0xFFFF8000  }
0x1fc: {  	s12 =	sadd.s32 $0x1, s12  }
0x1fd: {  	p0 =	sne.s32 s12, s7  }
.Ltmp2:
0x1fe: {  	_ = 	snop;
	(pc) =	sbr.rel @p0 .LBB2_1-.Ltmp2, $1  }
0x1ff: {  	_ =	sdelay $0x3  }
0x200: {  	_ =	sfence.sel $0x180000  }
0x201: {  	[bflag:$0x0] =	sbarrier.arrive $0xFFFF  }
0x202: {  	p0 =	sne.s32 s4, $0x0;
	_ =	strace $0x90000047  }
0x203: {  	s0 =	sadd.s32 @!p0 $0x100000, s0;
	[bflag:$0x2] =	sbarrier.arrive $0xFFFF  }
0x204: {  	[sflag:s0] =	ssyncadd.tile.s32 @!p0 $0x1;
	_ =	shalt  }
.Lfunc_end2:
_tile_overlayer_lowered:
.L_overlay_start_2:
0x205: {  	(tag) =	ssettag $0x2  }
0x206: {  	s0 =	rddreg [dreg:$0x0];
	s2 =	stileid.u32  }
0x207: {  	s1 =	rddreg [dreg:$0x1];
	p0 =	sne.s32 s2, $0x0  }
0x208: {  	s3 =	rddreg [dreg:$0x2];
	[bflag:$0x3] =	sbarrier.arrive $0xFFFF;
	s2 =	simm.s32 @!p0 $0x1C01  }
0x209: {  	[timem:s3], [sflag:s2] =	dma.local @!p0 [hbm:s0], s1  }
0x20a: {  	s0 =	simm.s32 @!p0 $0x1  }
0x20b: {  	_ =	swait.ge @!p0 [sflag:s0], s1  }
0x20c: {  	s1 =	ssub.s32 @!p0 $0x0, s1;
	[sflag:s0] =	ssyncset.done @!p0 $0x0  }
0x20d: {  	[sflag:s0] =	ssyncadd.s32 @!p0 s1  }
0x20e: {  	[bflag:$0x3] =	sbarrier.arrive $0xFFFF  }
0x20f: {  	_ =	shalt  }

</sc_bundles>
